<compile_context>
chip_gen: v7x
topology: tpu7x:2x2x1
jax: 0.10.2.dev20260603
libtpu: 0.0.44.dev20260713+nightly
codegen_flags: <defaults>
</compile_context>

<pallas_src>
import functools

import jax
import jax.numpy as jnp
from jax import lax
from jax.experimental import pallas as pl
from jax.experimental.pallas import tpu as pltpu
from jax.experimental.pallas import tpu_sc as plsc

N = 10000
NP = 10240
F_IN = 128
F = 64
E = 320000
NC = 2
NS = 16
CHUNK = 128
C = 79
EPAD = NC * NS * C * CHUNK
RW = NP // NS
RWO = N // NS
BR = 2000

_sc_mesh = plsc.VectorSubcoreMesh(core_axis_name="c", subcore_axis_name="s")
_sc_params = pltpu.CompilerParams(use_tc_tiling_on_sc=False)



@functools.partial(
    pl.kernel,
    out_type=jax.ShapeDtypeStruct((NC, NP), jnp.float32),
    mesh=_sc_mesh,
    scratch_types=[
        pltpu.VMEM((C, CHUNK), jnp.int32),
        pltpu.VMEM((CHUNK,), jnp.float32),
        pltpu.VMEM_SHARED((NP,), jnp.float32),
    ],
    compiler_params=_sc_params,
)
def _deg_kernel(dst_hbm, ones_hbm, zeros_hbm, out_hbm, dst_v, ones_v, deg_sh):
    c = lax.axis_index("c")
    s = lax.axis_index("s")
    pltpu.sync_copy(dst_hbm.at[c, s], dst_v)
    pltpu.sync_copy(ones_hbm, ones_v)
    pltpu.sync_copy(zeros_hbm, deg_sh.at[pl.ds(s * RW, RW)])
    plsc.subcore_barrier()

    @pl.loop(0, C)
    def _(j):
        pltpu.sync_copy(ones_v, deg_sh.at[dst_v.at[j]], add=True)

    plsc.subcore_barrier()
    pltpu.sync_copy(deg_sh.at[pl.ds(s * RW, RW)], out_hbm.at[c, pl.ds(s * RW, RW)])


@functools.partial(
    pl.kernel,
    out_type=jax.ShapeDtypeStruct((NC, N, F), jnp.float32),
    mesh=_sc_mesh,
    scratch_types=[
        pltpu.VMEM((C, CHUNK), jnp.int32),
        pltpu.VMEM((C, CHUNK), jnp.int32),
        pltpu.VMEM((2, CHUNK, F), jnp.float32),
        pltpu.VMEM_SHARED((NP, F), jnp.float32),
        pltpu.VMEM_SHARED((N, F), jnp.float32),
        pltpu.SemaphoreType.DMA,
        pltpu.SemaphoreType.DMA,
        pltpu.SemaphoreType.DMA,
        pltpu.SemaphoreType.DMA,
    ],
    compiler_params=_sc_params,
)
def _agg_kernel(g_hbm, src_hbm, dst_hbm, zrows_hbm, out_hbm,
                src_v, dst_v, rows_v, acc_sh, g_sh, sem0, sem1, sem2, sem3):
    c = lax.axis_index("c")
    s = lax.axis_index("s")
    pltpu.async_copy(src_hbm.at[c, s], src_v, sem0)
    pltpu.async_copy(dst_hbm.at[c, s], dst_v, sem1)
    pltpu.async_copy(zrows_hbm, acc_sh.at[pl.ds(s * RWO, RWO)], sem2)
    pltpu.async_copy(g_hbm.at[pl.ds(s * RWO, RWO)],
                     g_sh.at[pl.ds(s * RWO, RWO)], sem3)
    pltpu.make_async_copy(src_hbm.at[c, s], src_v, sem0).wait()
    pltpu.make_async_copy(dst_hbm.at[c, s], dst_v, sem1).wait()
    pltpu.make_async_copy(zrows_hbm, acc_sh.at[pl.ds(s * RWO, RWO)],
                          sem2).wait()
    pltpu.make_async_copy(g_hbm.at[pl.ds(s * RWO, RWO)],
                          g_sh.at[pl.ds(s * RWO, RWO)], sem3).wait()
    plsc.subcore_barrier()

    pltpu.async_copy(g_sh.at[src_v.at[0]], rows_v.at[0], sem0)

    @pl.loop(0, C - 1, step=2)
    def _(j):
        pltpu.make_async_copy(g_sh.at[src_v.at[j]], rows_v.at[0], sem0).wait()
        pltpu.async_copy(g_sh.at[src_v.at[j + 1]], rows_v.at[1], sem1)
        pltpu.sync_copy(rows_v.at[0], acc_sh.at[dst_v.at[j]], add=True)
        pltpu.make_async_copy(g_sh.at[src_v.at[j + 1]], rows_v.at[1],
                              sem1).wait()
        pltpu.async_copy(g_sh.at[src_v.at[j + 2]], rows_v.at[0], sem0)
        pltpu.sync_copy(rows_v.at[1], acc_sh.at[dst_v.at[j + 1]], add=True)

    pltpu.make_async_copy(g_sh.at[src_v.at[C - 1]], rows_v.at[0], sem0).wait()
    pltpu.sync_copy(rows_v.at[0], acc_sh.at[dst_v.at[C - 1]], add=True)

    plsc.subcore_barrier()
    pltpu.sync_copy(acc_sh.at[pl.ds(s * RWO, RWO)],
                    out_hbm.at[c, pl.ds(s * RWO, RWO)])



def _tc_first_body(d0_ref, d1_ref, x_ref, w_ref, g_ref, dism_ref):
    dism = lax.rsqrt(d0_ref[...] + d1_ref[...] + 1.0)
    g_ref[...] = jnp.dot(x_ref[...], w_ref[...],
                         preferred_element_type=jnp.float32) * dism
    dism_ref[...] = dism


def _tc_first(d0, d1, x, w):
    return pl.pallas_call(
        _tc_first_body,
        grid=(N // BR,),
        in_specs=[
            pl.BlockSpec((BR, 1), lambda i: (i, 0)),
            pl.BlockSpec((BR, 1), lambda i: (i, 0)),
            pl.BlockSpec((BR, F_IN), lambda i: (i, 0)),
            pl.BlockSpec((F_IN, F), lambda i: (0, 0)),
        ],
        out_specs=[
            pl.BlockSpec((BR, F), lambda i: (i, 0)),
            pl.BlockSpec((BR, 1), lambda i: (i, 0)),
        ],
        out_shape=[
            jax.ShapeDtypeStruct((N, F), jnp.float32),
            jax.ShapeDtypeStruct((N, 1), jnp.float32),
        ],
    )(d0, d1, x, w)


def _tc_mid_body(p0_ref, p1_ref, g_ref, dism_ref, b_ref, w_ref, gout_ref):
    dism = dism_ref[...]
    agg = p0_ref[...] + p1_ref[...] + g_ref[...]
    h = jnp.maximum(agg * dism + b_ref[...], 0.0)
    gout_ref[...] = jnp.dot(h, w_ref[...],
                            preferred_element_type=jnp.float32) * dism


def _tc_mid(p0, p1, g, dism, b, w):
    return pl.pallas_call(
        _tc_mid_body,
        grid=(N // BR,),
        in_specs=[
            pl.BlockSpec((BR, F), lambda i: (i, 0)),
            pl.BlockSpec((BR, F), lambda i: (i, 0)),
            pl.BlockSpec((BR, F), lambda i: (i, 0)),
            pl.BlockSpec((BR, 1), lambda i: (i, 0)),
            pl.BlockSpec((1, F), lambda i: (0, 0)),
            pl.BlockSpec((F, F), lambda i: (0, 0)),
        ],
        out_specs=pl.BlockSpec((BR, F), lambda i: (i, 0)),
        out_shape=jax.ShapeDtypeStruct((N, F), jnp.float32),
    )(p0, p1, g, dism, b, w)


def _tc_final_body(p0_ref, p1_ref, g_ref, dism_ref, b_ref, out_ref):
    agg = p0_ref[...] + p1_ref[...] + g_ref[...]
    out_ref[...] = agg * dism_ref[...] + b_ref[...]


def _tc_final(p0, p1, g, dism, b):
    return pl.pallas_call(
        _tc_final_body,
        grid=(N // BR,),
        in_specs=[
            pl.BlockSpec((BR, F), lambda i: (i, 0)),
            pl.BlockSpec((BR, F), lambda i: (i, 0)),
            pl.BlockSpec((BR, F), lambda i: (i, 0)),
            pl.BlockSpec((BR, 1), lambda i: (i, 0)),
            pl.BlockSpec((1, F), lambda i: (0, 0)),
        ],
        out_specs=pl.BlockSpec((BR, F), lambda i: (i, 0)),
        out_shape=jax.ShapeDtypeStruct((N, F), jnp.float32),
    )(p0, p1, g, dism, b)



def kernel(x, edge_index, W0, b0, W1, b1, W2, b2):
    src = edge_index[0].astype(jnp.int32)
    dst = edge_index[1].astype(jnp.int32)
    src3 = jnp.concatenate(
        [src, jnp.zeros((EPAD - E,), jnp.int32)]).reshape(NC, NS, C, CHUNK)
    dst3 = jnp.concatenate(
        [dst, jnp.full((EPAD - E,), N, jnp.int32)]).reshape(NC, NS, C, CHUNK)

    ones_chunk = jnp.ones((CHUNK,), jnp.float32)
    zeros_deg = jnp.zeros((RW,), jnp.float32)
    zeros_rows = jnp.zeros((RWO, F), jnp.float32)

    degp = _deg_kernel(dst3, ones_chunk, zeros_deg)
    d0 = degp[0, :N].reshape(N, 1)
    d1 = degp[1, :N].reshape(N, 1)

    b0r = b0.reshape(1, F)
    b1r = b1.reshape(1, F)
    b2r = b2.reshape(1, F)

    g0, dism = _tc_first(d0, d1, x, W0)
    p = _agg_kernel(g0, src3, dst3, zeros_rows)
    g1 = _tc_mid(p[0], p[1], g0, dism, b0r, W1)
    p = _agg_kernel(g1, src3, dst3, zeros_rows)
    g2 = _tc_mid(p[0], p[1], g1, dism, b1r, W2)
    p = _agg_kernel(g2, src3, dst3, zeros_rows)
    return _tc_final(p[0], p[1], g2, dism, b2r)

# --- scband reference (transcript-rebuilt; emitter-appended) ---
"""Pipeline reference for scband-gaeencoder-7919919694018 (READ-ONLY COPY).

The authoritative reference and input builder live on the scoring server;
editing this copy changes nothing except your own understanding.
"""

import jax, jax.numpy as jnp
import numpy as np

N_NODES = 10000

def gcn_conv(x, edge_index, W, b):
    n = x.shape[0]
    h = x @ W
    src = edge_index[0]
    dst = edge_index[1]
    loop = jnp.arange(n, dtype=src.dtype)
    src = jnp.concatenate([src, loop])
    dst = jnp.concatenate([dst, loop])
    deg = jnp.zeros((n,), dtype=h.dtype).at[dst].add(1.0)
    deg_inv_sqrt = jnp.where(deg > 0, deg ** -0.5, 0.0)
    norm = deg_inv_sqrt[src] * deg_inv_sqrt[dst]
    msg = h[src] * norm[:, None]
    out = jnp.zeros((n, h.shape[1]), dtype=h.dtype).at[dst].add(msg)
    return out + b


def setup_inputs(seed: int = 0) -> dict:
    key = jax.random.key(seed)
    ks = jax.random.split(key, 8)
    x = jax.random.normal(ks[0], (N_NODES, 128), dtype=jnp.float32)
    edge_index = jax.random.randint(ks[1], (2, 320000), 0, N_NODES, dtype=jnp.int64)
    def glorot(k, fan_in, fan_out):
        s = (6.0 / (fan_in + fan_out)) ** 0.5
        return jax.random.uniform(k, (fan_in, fan_out), dtype=jnp.float32, minval=-s, maxval=s)
    W0 = glorot(ks[2], 128, 64)
    b0 = jnp.zeros((64,), dtype=jnp.float32)
    W1 = glorot(ks[3], 64, 64)
    b1 = jnp.zeros((64,), dtype=jnp.float32)
    W2 = glorot(ks[4], 64, 64)
    b2 = jnp.zeros((64,), dtype=jnp.float32)
    return {"x": x, "edge_index": edge_index, "W0": W0, "b0": b0, "W1": W1, "b1": b1, "W2": W2, "b2": b2}


def reference(x, edge_index, W0, b0, W1, b1, W2, b2):
    # eval mode: dropout is identity
    h = gcn_conv(x, edge_index, W0, b0)
    h = jax.nn.relu(h)
    h = gcn_conv(h, edge_index, W1, b1)
    h = jax.nn.relu(h)
    out = gcn_conv(h, edge_index, W2, b2)
    return out

if __name__ == "__main__":
    import jax
    _d = setup_inputs()
    print(jax.jit(kernel)(*tuple(_d.values())))

</pallas_src>

<mosaic_0001>
#map = affine_map<(d0, d1) -> (0, 0, 0, 0)>
#map1 = affine_map<(d0, d1) -> (0)>
#map2 = affine_map<(d0, d1) -> (0, 0)>
module attributes {stable_mosaic.version = 14 : i64} {
  func.func @_deg_kernel(%arg0: i32, %arg1: i32, %arg2: memref<2x16x79x128xi32, #tpu.memory_space<hbm>>, %arg3: memref<128xf32, #tpu.memory_space<hbm>>, %arg4: memref<640xf32, #tpu.memory_space<hbm>>, %arg5: memref<2x10240xf32, #tpu.memory_space<hbm>>, %arg6: memref<79x128xi32, #tpu.memory_space<vmem>>, %arg7: memref<128xf32, #tpu.memory_space<vmem>>, %arg8: memref<10240xf32, #tpu.memory_space<vmem_shared>>) attributes {dimension_semantics = [#tpu.dimension_semantics<core_parallel>, #tpu.dimension_semantics<subcore_parallel>], iteration_bounds = array<i64: 2, 16>, scalar_prefetch = 0 : i64, scratch_operands = 3 : i64, tpu.core_type = #tpu.core_type<sc_vector_subcore>, window_params = [{transform_indices = #map}, {transform_indices = #map1}, {transform_indices = #map1}, {transform_indices = #map2}]} {
    "tpu.region"() ({
      %run_scoped3A = tpu.sem_alloc : memref<!tpu.dma_semaphore, #tpu.memory_space<semaphore_mem>>
      %dma_start3A = arith.constant 0 : i32
      %dma_start3A_10 = arith.constant 0 : i32
      %dma_start3A_11 = tpu.memref_slice %arg2[%arg0, %arg1, %dma_start3A, %dma_start3A_10] : memref<2x16x79x128xi32, #tpu.memory_space<hbm>> -> memref<1x1x79x128xi32, #tpu.memory_space<hbm>>
      %dma_start3A_12 = tpu.memref_squeeze %dma_start3A_11 : memref<1x1x79x128xi32, #tpu.memory_space<hbm>> -> memref<79x128xi32, #tpu.memory_space<hbm>>
      %dma_start3A_13 = arith.constant 0 : i32
      %dma_start3A_14 = arith.constant 0 : i32
      %dma_start3A_15 = tpu.memref_slice %arg2[%arg0, %arg1, %dma_start3A_13, %dma_start3A_14] : memref<2x16x79x128xi32, #tpu.memory_space<hbm>> -> memref<1x1x79x128xi32, #tpu.memory_space<hbm>>
      %dma_start3A_16 = tpu.memref_squeeze %dma_start3A_15 : memref<1x1x79x128xi32, #tpu.memory_space<hbm>> -> memref<79x128xi32, #tpu.memory_space<hbm>>
      tpu.enqueue_dma source(%dma_start3A_16 : memref<79x128xi32, #tpu.memory_space<hbm>>) target(%arg6 : memref<79x128xi32, #tpu.memory_space<vmem>>) target_semaphore(%run_scoped3A : memref<!tpu.dma_semaphore, #tpu.memory_space<semaphore_mem>>)
      %dma_wait3A = arith.constant 0 : i32
      %dma_wait3A_17 = arith.constant 0 : i32
      %dma_wait3A_18 = tpu.memref_slice %arg2[%arg0, %arg1, %dma_wait3A, %dma_wait3A_17] : memref<2x16x79x128xi32, #tpu.memory_space<hbm>> -> memref<1x1x79x128xi32, #tpu.memory_space<hbm>>
      %dma_wait3A_19 = tpu.memref_squeeze %dma_wait3A_18 : memref<1x1x79x128xi32, #tpu.memory_space<hbm>> -> memref<79x128xi32, #tpu.memory_space<hbm>>
      %dma_wait3A_20 = arith.constant 0 : i32
      %dma_wait3A_21 = arith.constant 0 : i32
      %dma_wait3A_22 = tpu.memref_slice %arg2[%arg0, %arg1, %dma_wait3A_20, %dma_wait3A_21] : memref<2x16x79x128xi32, #tpu.memory_space<hbm>> -> memref<1x1x79x128xi32, #tpu.memory_space<hbm>>
      %dma_wait3A_23 = tpu.memref_squeeze %dma_wait3A_22 : memref<1x1x79x128xi32, #tpu.memory_space<hbm>> -> memref<79x128xi32, #tpu.memory_space<hbm>>
      tpu.wait_dma2 semaphore(%run_scoped3A : memref<!tpu.dma_semaphore, #tpu.memory_space<semaphore_mem>>) src(%dma_wait3A_23 : memref<79x128xi32, #tpu.memory_space<hbm>>) dst(%arg6 : memref<79x128xi32, #tpu.memory_space<vmem>>)
      tpu.yield
    }) : () -> ()
    "tpu.region"() ({
      %run_scoped3A = tpu.sem_alloc : memref<!tpu.dma_semaphore, #tpu.memory_space<semaphore_mem>>
      tpu.enqueue_dma source(%arg3 : memref<128xf32, #tpu.memory_space<hbm>>) target(%arg7 : memref<128xf32, #tpu.memory_space<vmem>>) target_semaphore(%run_scoped3A : memref<!tpu.dma_semaphore, #tpu.memory_space<semaphore_mem>>)
      tpu.wait_dma2 semaphore(%run_scoped3A : memref<!tpu.dma_semaphore, #tpu.memory_space<semaphore_mem>>) src(%arg3 : memref<128xf32, #tpu.memory_space<hbm>>) dst(%arg7 : memref<128xf32, #tpu.memory_space<vmem>>)
      tpu.yield
    }) : () -> ()
    %mul3A = arith.constant 640 : i32
    %mul3A_0 = arith.muli %arg1, %mul3A : i32
    "tpu.region"() ({
      %run_scoped3A = tpu.sem_alloc : memref<!tpu.dma_semaphore, #tpu.memory_space<semaphore_mem>>
      %dma_start3A = tpu.memref_slice %arg8[%mul3A_0] : memref<10240xf32, #tpu.memory_space<vmem_shared>> -> memref<640xf32, #tpu.memory_space<vmem_shared>>
      tpu.enqueue_dma source(%arg4 : memref<640xf32, #tpu.memory_space<hbm>>) target(%dma_start3A : memref<640xf32, #tpu.memory_space<vmem_shared>>) target_semaphore(%run_scoped3A : memref<!tpu.dma_semaphore, #tpu.memory_space<semaphore_mem>>)
      %dma_wait3A = tpu.memref_slice %arg8[%mul3A_0] : memref<10240xf32, #tpu.memory_space<vmem_shared>> -> memref<640xf32, #tpu.memory_space<vmem_shared>>
      tpu.wait_dma2 semaphore(%run_scoped3A : memref<!tpu.dma_semaphore, #tpu.memory_space<semaphore_mem>>) src(%arg4 : memref<640xf32, #tpu.memory_space<hbm>>) dst(%dma_wait3A : memref<640xf32, #tpu.memory_space<vmem_shared>>)
      tpu.yield
    }) : () -> ()
    %barrier3A = arith.constant 0 : index
    tpu.barrier barrier_id(%barrier3A)
    %scan3A = arith.constant 0 : i32
    %scan3A_1 = arith.constant 79 : i32
    %scan3A_2 = arith.addi %scan3A, %scan3A_1 : i32
    %scan3A_3 = arith.constant 1 : i32
    scf.for %scan3A_10 = %scan3A to %scan3A_2 step %scan3A_3  : i32 {
      %mul3A_11 = arith.constant 1 : i32
      %mul3A_12 = arith.muli %scan3A_10, %mul3A_11 : i32
      %add3A = arith.constant 0 : i32
      %add3A_13 = arith.addi %add3A, %mul3A_12 : i32
      "tpu.region"() ({
        %run_scoped3A = tpu.sem_alloc : memref<!tpu.dma_semaphore, #tpu.memory_space<semaphore_mem>>
        %dma_start3A = arith.constant 0 : i32
        %dma_start3A_14 = tpu.memref_slice %arg6[%add3A_13, %dma_start3A] : memref<79x128xi32, #tpu.memory_space<vmem>> -> memref<1x128xi32, #tpu.memory_space<vmem>>
        %dma_start3A_15 = tpu.memref_squeeze %dma_start3A_14 : memref<1x128xi32, #tpu.memory_space<vmem>> -> memref<128xi32, #tpu.memory_space<vmem>>
        %dma_start3A_16 = arith.constant 0 : i32
        %dma_start3A_17 = tpu.memref_slice %arg8[%dma_start3A_16] : memref<10240xf32, #tpu.memory_space<vmem_shared>> -> memref<10240xf32, #tpu.memory_space<vmem_shared>>
        tpu.enqueue_indirect_dma source(%arg7 : memref<128xf32, #tpu.memory_space<vmem>>) target(%dma_start3A_17 : memref<10240xf32, #tpu.memory_space<vmem_shared>>) offsets(%dma_start3A_15 : memref<128xi32, #tpu.memory_space<vmem>>) semaphore(%run_scoped3A : memref<!tpu.dma_semaphore, #tpu.memory_space<semaphore_mem>>) {add = true}
        %dma_wait3A = arith.constant 0 : i32
        %dma_wait3A_18 = tpu.memref_slice %arg6[%add3A_13, %dma_wait3A] : memref<79x128xi32, #tpu.memory_space<vmem>> -> memref<1x128xi32, #tpu.memory_space<vmem>>
        %dma_wait3A_19 = tpu.memref_squeeze %dma_wait3A_18 : memref<1x128xi32, #tpu.memory_space<vmem>> -> memref<128xi32, #tpu.memory_space<vmem>>
        %dma_wait3A_20 = arith.constant 0 : i32
        %dma_wait3A_21 = tpu.memref_slice %arg8[%dma_wait3A_20] : memref<10240xf32, #tpu.memory_space<vmem_shared>> -> memref<10240xf32, #tpu.memory_space<vmem_shared>>
        tpu.wait_indirect_dma semaphore(%run_scoped3A : memref<!tpu.dma_semaphore, #tpu.memory_space<semaphore_mem>>) src(%arg7 : memref<128xf32, #tpu.memory_space<vmem>>) dst(%dma_wait3A_21 : memref<10240xf32, #tpu.memory_space<vmem_shared>>)
        tpu.yield
      }) : () -> ()
    }
    %scan3A_4 = arith.constant 79 : i32
    %barrier3A_5 = arith.constant 0 : index
    tpu.barrier barrier_id(%barrier3A_5)
    %mul3A_6 = arith.constant 640 : i32
    %mul3A_7 = arith.muli %arg1, %mul3A_6 : i32
    %mul3A_8 = arith.constant 640 : i32
    %mul3A_9 = arith.muli %arg1, %mul3A_8 : i32
    "tpu.region"() ({
      %run_scoped3A = tpu.sem_alloc : memref<!tpu.dma_semaphore, #tpu.memory_space<semaphore_mem>>
      %dma_start3A = tpu.memref_slice %arg5[%arg0, %mul3A_9] : memref<2x10240xf32, #tpu.memory_space<hbm>> -> memref<1x640xf32, #tpu.memory_space<hbm>>
      %dma_start3A_10 = tpu.memref_squeeze %dma_start3A : memref<1x640xf32, #tpu.memory_space<hbm>> -> memref<640xf32, #tpu.memory_space<hbm>>
      %dma_start3A_11 = tpu.memref_slice %arg8[%mul3A_7] : memref<10240xf32, #tpu.memory_space<vmem_shared>> -> memref<640xf32, #tpu.memory_space<vmem_shared>>
      tpu.enqueue_dma source(%dma_start3A_11 : memref<640xf32, #tpu.memory_space<vmem_shared>>) target(%dma_start3A_10 : memref<640xf32, #tpu.memory_space<hbm>>) target_semaphore(%run_scoped3A : memref<!tpu.dma_semaphore, #tpu.memory_space<semaphore_mem>>)
      %dma_wait3A = tpu.memref_slice %arg5[%arg0, %mul3A_9] : memref<2x10240xf32, #tpu.memory_space<hbm>> -> memref<1x640xf32, #tpu.memory_space<hbm>>
      %dma_wait3A_12 = tpu.memref_squeeze %dma_wait3A : memref<1x640xf32, #tpu.memory_space<hbm>> -> memref<640xf32, #tpu.memory_space<hbm>>
      %dma_wait3A_13 = tpu.memref_slice %arg8[%mul3A_7] : memref<10240xf32, #tpu.memory_space<vmem_shared>> -> memref<640xf32, #tpu.memory_space<vmem_shared>>
      tpu.wait_dma2 semaphore(%run_scoped3A : memref<!tpu.dma_semaphore, #tpu.memory_space<semaphore_mem>>) src(%dma_wait3A_13 : memref<640xf32, #tpu.memory_space<vmem_shared>>) dst(%dma_wait3A_12 : memref<640xf32, #tpu.memory_space<hbm>>)
      tpu.yield
    }) : () -> ()
    return
  }
}

#map = affine_map<(d0, d1) -> (0, 0)>
#map1 = affine_map<(d0, d1) -> (0, 0, 0, 0)>
#map2 = affine_map<(d0, d1) -> (0, 0, 0)>
module attributes {stable_mosaic.version = 14 : i64} {
  func.func @_agg_kernel(%arg0: i32, %arg1: i32, %arg2: memref<10000x64xf32, #tpu.memory_space<hbm>>, %arg3: memref<2x16x79x128xi32, #tpu.memory_space<hbm>>, %arg4: memref<2x16x79x128xi32, #tpu.memory_space<hbm>>, %arg5: memref<625x64xf32, #tpu.memory_space<hbm>>, %arg6: memref<2x10000x64xf32, #tpu.memory_space<hbm>>, %arg7: memref<79x128xi32, #tpu.memory_space<vmem>>, %arg8: memref<79x128xi32, #tpu.memory_space<vmem>>, %arg9: memref<2x128x64xf32, #tpu.memory_space<vmem>>, %arg10: memref<10240x64xf32, #tpu.memory_space<vmem_shared>>, %arg11: memref<10000x64xf32, #tpu.memory_space<vmem_shared>>, %arg12: memref<!tpu.dma_semaphore, #tpu.memory_space<semaphore_mem>>, %arg13: memref<!tpu.dma_semaphore, #tpu.memory_space<semaphore_mem>>, %arg14: memref<!tpu.dma_semaphore, #tpu.memory_space<semaphore_mem>>, %arg15: memref<!tpu.dma_semaphore, #tpu.memory_space<semaphore_mem>>) attributes {dimension_semantics = [#tpu.dimension_semantics<core_parallel>, #tpu.dimension_semantics<subcore_parallel>], iteration_bounds = array<i64: 2, 16>, scalar_prefetch = 0 : i64, scratch_operands = 9 : i64, tpu.core_type = #tpu.core_type<sc_vector_subcore>, window_params = [{transform_indices = #map}, {transform_indices = #map1}, {transform_indices = #map1}, {transform_indices = #map}, {transform_indices = #map2}]} {
    %dma_start3A = arith.constant 0 : i32
    %dma_start3A_0 = arith.constant 0 : i32
    %dma_start3A_1 = tpu.memref_slice %arg3[%arg0, %arg1, %dma_start3A, %dma_start3A_0] : memref<2x16x79x128xi32, #tpu.memory_space<hbm>> -> memref<1x1x79x128xi32, #tpu.memory_space<hbm>>
    %dma_start3A_2 = tpu.memref_squeeze %dma_start3A_1 : memref<1x1x79x128xi32, #tpu.memory_space<hbm>> -> memref<79x128xi32, #tpu.memory_space<hbm>>
    %dma_start3A_3 = arith.constant 0 : i32
    %dma_start3A_4 = arith.constant 0 : i32
    %dma_start3A_5 = tpu.memref_slice %arg3[%arg0, %arg1, %dma_start3A_3, %dma_start3A_4] : memref<2x16x79x128xi32, #tpu.memory_space<hbm>> -> memref<1x1x79x128xi32, #tpu.memory_space<hbm>>
    %dma_start3A_6 = tpu.memref_squeeze %dma_start3A_5 : memref<1x1x79x128xi32, #tpu.memory_space<hbm>> -> memref<79x128xi32, #tpu.memory_space<hbm>>
    tpu.enqueue_dma source(%dma_start3A_6 : memref<79x128xi32, #tpu.memory_space<hbm>>) target(%arg7 : memref<79x128xi32, #tpu.memory_space<vmem>>) target_semaphore(%arg12 : memref<!tpu.dma_semaphore, #tpu.memory_space<semaphore_mem>>)
    %dma_start3A_7 = arith.constant 0 : i32
    %dma_start3A_8 = arith.constant 0 : i32
    %dma_start3A_9 = tpu.memref_slice %arg4[%arg0, %arg1, %dma_start3A_7, %dma_start3A_8] : memref<2x16x79x128xi32, #tpu.memory_space<hbm>> -> memref<1x1x79x128xi32, #tpu.memory_space<hbm>>
    %dma_start3A_10 = tpu.memref_squeeze %dma_start3A_9 : memref<1x1x79x128xi32, #tpu.memory_space<hbm>> -> memref<79x128xi32, #tpu.memory_space<hbm>>
    %dma_start3A_11 = arith.constant 0 : i32
    %dma_start3A_12 = arith.constant 0 : i32
    %dma_start3A_13 = tpu.memref_slice %arg4[%arg0, %arg1, %dma_start3A_11, %dma_start3A_12] : memref<2x16x79x128xi32, #tpu.memory_space<hbm>> -> memref<1x1x79x128xi32, #tpu.memory_space<hbm>>
    %dma_start3A_14 = tpu.memref_squeeze %dma_start3A_13 : memref<1x1x79x128xi32, #tpu.memory_space<hbm>> -> memref<79x128xi32, #tpu.memory_space<hbm>>
    tpu.enqueue_dma source(%dma_start3A_14 : memref<79x128xi32, #tpu.memory_space<hbm>>) target(%arg8 : memref<79x128xi32, #tpu.memory_space<vmem>>) target_semaphore(%arg13 : memref<!tpu.dma_semaphore, #tpu.memory_space<semaphore_mem>>)
    %mul3A = arith.constant 625 : i32
    %mul3A_15 = arith.muli %arg1, %mul3A : i32
    %dma_start3A_16 = arith.constant 0 : i32
    %dma_start3A_17 = tpu.memref_slice %arg10[%mul3A_15, %dma_start3A_16] : memref<10240x64xf32, #tpu.memory_space<vmem_shared>> -> memref<625x64xf32, #tpu.memory_space<vmem_shared>>
    tpu.enqueue_dma source(%arg5 : memref<625x64xf32, #tpu.memory_space<hbm>>) target(%dma_start3A_17 : memref<625x64xf32, #tpu.memory_space<vmem_shared>>) target_semaphore(%arg14 : memref<!tpu.dma_semaphore, #tpu.memory_space<semaphore_mem>>)
    %mul3A_18 = arith.constant 625 : i32
    %mul3A_19 = arith.muli %arg1, %mul3A_18 : i32
    %mul3A_20 = arith.constant 625 : i32
    %mul3A_21 = arith.muli %arg1, %mul3A_20 : i32
    %dma_start3A_22 = arith.constant 0 : i32
    %dma_start3A_23 = tpu.memref_slice %arg11[%mul3A_21, %dma_start3A_22] : memref<10000x64xf32, #tpu.memory_space<vmem_shared>> -> memref<625x64xf32, #tpu.memory_space<vmem_shared>>
    %dma_start3A_24 = arith.constant 0 : i32
    %dma_start3A_25 = tpu.memref_slice %arg2[%mul3A_19, %dma_start3A_24] : memref<10000x64xf32, #tpu.memory_space<hbm>> -> memref<625x64xf32, #tpu.memory_space<hbm>>
    tpu.enqueue_dma source(%dma_start3A_25 : memref<625x64xf32, #tpu.memory_space<hbm>>) target(%dma_start3A_23 : memref<625x64xf32, #tpu.memory_space<vmem_shared>>) target_semaphore(%arg15 : memref<!tpu.dma_semaphore, #tpu.memory_space<semaphore_mem>>)
    %dma_wait3A = arith.constant 0 : i32
    %dma_wait3A_26 = arith.constant 0 : i32
    %dma_wait3A_27 = tpu.memref_slice %arg3[%arg0, %arg1, %dma_wait3A, %dma_wait3A_26] : memref<2x16x79x128xi32, #tpu.memory_space<hbm>> -> memref<1x1x79x128xi32, #tpu.memory_space<hbm>>
    %dma_wait3A_28 = tpu.memref_squeeze %dma_wait3A_27 : memref<1x1x79x128xi32, #tpu.memory_space<hbm>> -> memref<79x128xi32, #tpu.memory_space<hbm>>
    %dma_wait3A_29 = arith.constant 0 : i32
    %dma_wait3A_30 = arith.constant 0 : i32
    %dma_wait3A_31 = tpu.memref_slice %arg3[%arg0, %arg1, %dma_wait3A_29, %dma_wait3A_30] : memref<2x16x79x128xi32, #tpu.memory_space<hbm>> -> memref<1x1x79x128xi32, #tpu.memory_space<hbm>>
    %dma_wait3A_32 = tpu.memref_squeeze %dma_wait3A_31 : memref<1x1x79x128xi32, #tpu.memory_space<hbm>> -> memref<79x128xi32, #tpu.memory_space<hbm>>
    tpu.wait_dma2 semaphore(%arg12 : memref<!tpu.dma_semaphore, #tpu.memory_space<semaphore_mem>>) src(%dma_wait3A_32 : memref<79x128xi32, #tpu.memory_space<hbm>>) dst(%arg7 : memref<79x128xi32, #tpu.memory_space<vmem>>)
    %dma_wait3A_33 = arith.constant 0 : i32
    %dma_wait3A_34 = arith.constant 0 : i32
    %dma_wait3A_35 = tpu.memref_slice %arg4[%arg0, %arg1, %dma_wait3A_33, %dma_wait3A_34] : memref<2x16x79x128xi32, #tpu.memory_space<hbm>> -> memref<1x1x79x128xi32, #tpu.memory_space<hbm>>
    %dma_wait3A_36 = tpu.memref_squeeze %dma_wait3A_35 : memref<1x1x79x128xi32, #tpu.memory_space<hbm>> -> memref<79x128xi32, #tpu.memory_space<hbm>>
    %dma_wait3A_37 = arith.constant 0 : i32
    %dma_wait3A_38 = arith.constant 0 : i32
    %dma_wait3A_39 = tpu.memref_slice %arg4[%arg0, %arg1, %dma_wait3A_37, %dma_wait3A_38] : memref<2x16x79x128xi32, #tpu.memory_space<hbm>> -> memref<1x1x79x128xi32, #tpu.memory_space<hbm>>
    %dma_wait3A_40 = tpu.memref_squeeze %dma_wait3A_39 : memref<1x1x79x128xi32, #tpu.memory_space<hbm>> -> memref<79x128xi32, #tpu.memory_space<hbm>>
    tpu.wait_dma2 semaphore(%arg13 : memref<!tpu.dma_semaphore, #tpu.memory_space<semaphore_mem>>) src(%dma_wait3A_40 : memref<79x128xi32, #tpu.memory_space<hbm>>) dst(%arg8 : memref<79x128xi32, #tpu.memory_space<vmem>>)
    %mul3A_41 = arith.constant 625 : i32
    %mul3A_42 = arith.muli %arg1, %mul3A_41 : i32
    %dma_wait3A_43 = arith.constant 0 : i32
    %dma_wait3A_44 = tpu.memref_slice %arg10[%mul3A_42, %dma_wait3A_43] : memref<10240x64xf32, #tpu.memory_space<vmem_shared>> -> memref<625x64xf32, #tpu.memory_space<vmem_shared>>
    tpu.wait_dma2 semaphore(%arg14 : memref<!tpu.dma_semaphore, #tpu.memory_space<semaphore_mem>>) src(%arg5 : memref<625x64xf32, #tpu.memory_space<hbm>>) dst(%dma_wait3A_44 : memref<625x64xf32, #tpu.memory_space<vmem_shared>>)
    %mul3A_45 = arith.constant 625 : i32
    %mul3A_46 = arith.muli %arg1, %mul3A_45 : i32
    %mul3A_47 = arith.constant 625 : i32
    %mul3A_48 = arith.muli %arg1, %mul3A_47 : i32
    %dma_wait3A_49 = arith.constant 0 : i32
    %dma_wait3A_50 = tpu.memref_slice %arg11[%mul3A_48, %dma_wait3A_49] : memref<10000x64xf32, #tpu.memory_space<vmem_shared>> -> memref<625x64xf32, #tpu.memory_space<vmem_shared>>
    %dma_wait3A_51 = arith.constant 0 : i32
    %dma_wait3A_52 = tpu.memref_slice %arg2[%mul3A_46, %dma_wait3A_51] : memref<10000x64xf32, #tpu.memory_space<hbm>> -> memref<625x64xf32, #tpu.memory_space<hbm>>
    tpu.wait_dma2 semaphore(%arg15 : memref<!tpu.dma_semaphore, #tpu.memory_space<semaphore_mem>>) src(%dma_wait3A_52 : memref<625x64xf32, #tpu.memory_space<hbm>>) dst(%dma_wait3A_50 : memref<625x64xf32, #tpu.memory_space<vmem_shared>>)
    %barrier3A = arith.constant 0 : index
    tpu.barrier barrier_id(%barrier3A)
    %dma_start3A_53 = arith.constant 0 : i32
    %dma_start3A_54 = arith.constant 0 : i32
    %dma_start3A_55 = arith.constant 0 : i32
    %dma_start3A_56 = arith.constant 0 : i32
    %dma_start3A_57 = tpu.memref_slice %arg9[%dma_start3A_54, %dma_start3A_55, %dma_start3A_56] : memref<2x128x64xf32, #tpu.memory_space<vmem>> -> memref<1x128x64xf32, #tpu.memory_space<vmem>>
    %dma_start3A_58 = tpu.memref_squeeze %dma_start3A_57 : memref<1x128x64xf32, #tpu.memory_space<vmem>> -> memref<128x64xf32, #tpu.memory_space<vmem>>
    %dma_start3A_59 = arith.constant 0 : i32
    %dma_start3A_60 = tpu.memref_slice %arg7[%dma_start3A_53, %dma_start3A_59] : memref<79x128xi32, #tpu.memory_space<vmem>> -> memref<1x128xi32, #tpu.memory_space<vmem>>
    %dma_start3A_61 = tpu.memref_squeeze %dma_start3A_60 : memref<1x128xi32, #tpu.memory_space<vmem>> -> memref<128xi32, #tpu.memory_space<vmem>>
    %dma_start3A_62 = arith.constant 0 : i32
    %dma_start3A_63 = arith.constant 0 : i32
    %dma_start3A_64 = tpu.memref_slice %arg11[%dma_start3A_62, %dma_start3A_63] : memref<10000x64xf32, #tpu.memory_space<vmem_shared>> -> memref<10000x64xf32, #tpu.memory_space<vmem_shared>>
    tpu.enqueue_indirect_dma source(%dma_start3A_64 : memref<10000x64xf32, #tpu.memory_space<vmem_shared>>) target(%dma_start3A_58 : memref<128x64xf32, #tpu.memory_space<vmem>>) offsets(%dma_start3A_61 : memref<128xi32, #tpu.memory_space<vmem>>) semaphore(%arg12 : memref<!tpu.dma_semaphore, #tpu.memory_space<semaphore_mem>>)
    %scan3A = arith.constant 0 : i32
    %scan3A_65 = arith.constant 39 : i32
    %scan3A_66 = arith.addi %scan3A, %scan3A_65 : i32
    %scan3A_67 = arith.constant 1 : i32
    scf.for %scan3A_87 = %scan3A to %scan3A_66 step %scan3A_67  : i32 {
      %mul3A_88 = arith.constant 2 : i32
      %mul3A_89 = arith.muli %scan3A_87, %mul3A_88 : i32
      %add3A = arith.constant 0 : i32
      %add3A_90 = arith.addi %add3A, %mul3A_89 : i32
      %dma_wait3A_91 = arith.constant 0 : i32
      %dma_wait3A_92 = arith.constant 0 : i32
      %dma_wait3A_93 = arith.constant 0 : i32
      %dma_wait3A_94 = tpu.memref_slice %arg9[%dma_wait3A_91, %dma_wait3A_92, %dma_wait3A_93] : memref<2x128x64xf32, #tpu.memory_space<vmem>> -> memref<1x128x64xf32, #tpu.memory_space<vmem>>
      %dma_wait3A_95 = tpu.memref_squeeze %dma_wait3A_94 : memref<1x128x64xf32, #tpu.memory_space<vmem>> -> memref<128x64xf32, #tpu.memory_space<vmem>>
      %dma_wait3A_96 = arith.constant 0 : i32
      %dma_wait3A_97 = tpu.memref_slice %arg7[%add3A_90, %dma_wait3A_96] : memref<79x128xi32, #tpu.memory_space<vmem>> -> memref<1x128xi32, #tpu.memory_space<vmem>>
      %dma_wait3A_98 = tpu.memref_squeeze %dma_wait3A_97 : memref<1x128xi32, #tpu.memory_space<vmem>> -> memref<128xi32, #tpu.memory_space<vmem>>
      %dma_wait3A_99 = arith.constant 0 : i32
      %dma_wait3A_100 = arith.constant 0 : i32
      %dma_wait3A_101 = tpu.memref_slice %arg11[%dma_wait3A_99, %dma_wait3A_100] : memref<10000x64xf32, #tpu.memory_space<vmem_shared>> -> memref<10000x64xf32, #tpu.memory_space<vmem_shared>>
      tpu.wait_indirect_dma semaphore(%arg12 : memref<!tpu.dma_semaphore, #tpu.memory_space<semaphore_mem>>) src(%dma_wait3A_101 : memref<10000x64xf32, #tpu.memory_space<vmem_shared>>) dst(%dma_wait3A_95 : memref<128x64xf32, #tpu.memory_space<vmem>>)
      %add3A_102 = arith.constant 1 : i32
      %add3A_103 = arith.addi %add3A_90, %add3A_102 : i32
      %dma_start3A_104 = arith.constant 1 : i32
      %dma_start3A_105 = arith.constant 0 : i32
      %dma_start3A_106 = arith.constant 0 : i32
      %dma_start3A_107 = tpu.memref_slice %arg9[%dma_start3A_104, %dma_start3A_105, %dma_start3A_106] : memref<2x128x64xf32, #tpu.memory_space<vmem>> -> memref<1x128x64xf32, #tpu.memory_space<vmem>>
      %dma_start3A_108 = tpu.memref_squeeze %dma_start3A_107 : memref<1x128x64xf32, #tpu.memory_space<vmem>> -> memref<128x64xf32, #tpu.memory_space<vmem>>
      %dma_start3A_109 = arith.constant 0 : i32
      %dma_start3A_110 = tpu.memref_slice %arg7[%add3A_103, %dma_start3A_109] : memref<79x128xi32, #tpu.memory_space<vmem>> -> memref<1x128xi32, #tpu.memory_space<vmem>>
      %dma_start3A_111 = tpu.memref_squeeze %dma_start3A_110 : memref<1x128xi32, #tpu.memory_space<vmem>> -> memref<128xi32, #tpu.memory_space<vmem>>
      %dma_start3A_112 = arith.constant 0 : i32
      %dma_start3A_113 = arith.constant 0 : i32
      %dma_start3A_114 = tpu.memref_slice %arg11[%dma_start3A_112, %dma_start3A_113] : memref<10000x64xf32, #tpu.memory_space<vmem_shared>> -> memref<10000x64xf32, #tpu.memory_space<vmem_shared>>
      tpu.enqueue_indirect_dma source(%dma_start3A_114 : memref<10000x64xf32, #tpu.memory_space<vmem_shared>>) target(%dma_start3A_108 : memref<128x64xf32, #tpu.memory_space<vmem>>) offsets(%dma_start3A_111 : memref<128xi32, #tpu.memory_space<vmem>>) semaphore(%arg13 : memref<!tpu.dma_semaphore, #tpu.memory_space<semaphore_mem>>)
      %run_scoped3A_115 = arith.constant 0 : i32
      "tpu.region"() ({
        %run_scoped3A_145 = tpu.sem_alloc : memref<!tpu.dma_semaphore, #tpu.memory_space<semaphore_mem>>
        %dma_start3A_146 = arith.constant 0 : i32
        %dma_start3A_147 = arith.constant 0 : i32
        %dma_start3A_148 = tpu.memref_slice %arg9[%run_scoped3A_115, %dma_start3A_146, %dma_start3A_147] : memref<2x128x64xf32, #tpu.memory_space<vmem>> -> memref<1x128x64xf32, #tpu.memory_space<vmem>>
        %dma_start3A_149 = tpu.memref_squeeze %dma_start3A_148 : memref<1x128x64xf32, #tpu.memory_space<vmem>> -> memref<128x64xf32, #tpu.memory_space<vmem>>
        %dma_start3A_150 = arith.constant 0 : i32
        %dma_start3A_151 = tpu.memref_slice %arg8[%add3A_90, %dma_start3A_150] : memref<79x128xi32, #tpu.memory_space<vmem>> -> memref<1x128xi32, #tpu.memory_space<vmem>>
        %dma_start3A_152 = tpu.memref_squeeze %dma_start3A_151 : memref<1x128xi32, #tpu.memory_space<vmem>> -> memref<128xi32, #tpu.memory_space<vmem>>
        %dma_start3A_153 = arith.constant 0 : i32
        %dma_start3A_154 = arith.constant 0 : i32
        %dma_start3A_155 = tpu.memref_slice %arg10[%dma_start3A_153, %dma_start3A_154] : memref<10240x64xf32, #tpu.memory_space<vmem_shared>> -> memref<10240x64xf32, #tpu.memory_space<vmem_shared>>
        tpu.enqueue_indirect_dma source(%dma_start3A_149 : memref<128x64xf32, #tpu.memory_space<vmem>>) target(%dma_start3A_155 : memref<10240x64xf32, #tpu.memory_space<vmem_shared>>) offsets(%dma_start3A_152 : memref<128xi32, #tpu.memory_space<vmem>>) semaphore(%run_scoped3A_145 : memref<!tpu.dma_semaphore, #tpu.memory_space<semaphore_mem>>) {add = true}
        %dma_wait3A_156 = arith.constant 0 : i32
        %dma_wait3A_157 = arith.constant 0 : i32
        %dma_wait3A_158 = tpu.memref_slice %arg9[%run_scoped3A_115, %dma_wait3A_156, %dma_wait3A_157] : memref<2x128x64xf32, #tpu.memory_space<vmem>> -> memref<1x128x64xf32, #tpu.memory_space<vmem>>
        %dma_wait3A_159 = tpu.memref_squeeze %dma_wait3A_158 : memref<1x128x64xf32, #tpu.memory_space<vmem>> -> memref<128x64xf32, #tpu.memory_space<vmem>>
        %dma_wait3A_160 = arith.constant 0 : i32
        %dma_wait3A_161 = tpu.memref_slice %arg8[%add3A_90, %dma_wait3A_160] : memref<79x128xi32, #tpu.memory_space<vmem>> -> memref<1x128xi32, #tpu.memory_space<vmem>>
        %dma_wait3A_162 = tpu.memref_squeeze %dma_wait3A_161 : memref<1x128xi32, #tpu.memory_space<vmem>> -> memref<128xi32, #tpu.memory_space<vmem>>
        %dma_wait3A_163 = arith.constant 0 : i32
        %dma_wait3A_164 = arith.constant 0 : i32
        %dma_wait3A_165 = tpu.memref_slice %arg10[%dma_wait3A_163, %dma_wait3A_164] : memref<10240x64xf32, #tpu.memory_space<vmem_shared>> -> memref<10240x64xf32, #tpu.memory_space<vmem_shared>>
        tpu.wait_indirect_dma semaphore(%run_scoped3A_145 : memref<!tpu.dma_semaphore, #tpu.memory_space<semaphore_mem>>) src(%dma_wait3A_159 : memref<128x64xf32, #tpu.memory_space<vmem>>) dst(%dma_wait3A_165 : memref<10240x64xf32, #tpu.memory_space<vmem_shared>>)
        tpu.yield
      }) : () -> ()
      %add3A_116 = arith.constant 1 : i32
      %add3A_117 = arith.addi %add3A_90, %add3A_116 : i32
      %dma_wait3A_118 = arith.constant 1 : i32
      %dma_wait3A_119 = arith.constant 0 : i32
      %dma_wait3A_120 = arith.constant 0 : i32
      %dma_wait3A_121 = tpu.memref_slice %arg9[%dma_wait3A_118, %dma_wait3A_119, %dma_wait3A_120] : memref<2x128x64xf32, #tpu.memory_space<vmem>> -> memref<1x128x64xf32, #tpu.memory_space<vmem>>
      %dma_wait3A_122 = tpu.memref_squeeze %dma_wait3A_121 : memref<1x128x64xf32, #tpu.memory_space<vmem>> -> memref<128x64xf32, #tpu.memory_space<vmem>>
      %dma_wait3A_123 = arith.constant 0 : i32
      %dma_wait3A_124 = tpu.memref_slice %arg7[%add3A_117, %dma_wait3A_123] : memref<79x128xi32, #tpu.memory_space<vmem>> -> memref<1x128xi32, #tpu.memory_space<vmem>>
      %dma_wait3A_125 = tpu.memref_squeeze %dma_wait3A_124 : memref<1x128xi32, #tpu.memory_space<vmem>> -> memref<128xi32, #tpu.memory_space<vmem>>
      %dma_wait3A_126 = arith.constant 0 : i32
      %dma_wait3A_127 = arith.constant 0 : i32
      %dma_wait3A_128 = tpu.memref_slice %arg11[%dma_wait3A_126, %dma_wait3A_127] : memref<10000x64xf32, #tpu.memory_space<vmem_shared>> -> memref<10000x64xf32, #tpu.memory_space<vmem_shared>>
      tpu.wait_indirect_dma semaphore(%arg13 : memref<!tpu.dma_semaphore, #tpu.memory_space<semaphore_mem>>) src(%dma_wait3A_128 : memref<10000x64xf32, #tpu.memory_space<vmem_shared>>) dst(%dma_wait3A_122 : memref<128x64xf32, #tpu.memory_space<vmem>>)
      %add3A_129 = arith.constant 2 : i32
      %add3A_130 = arith.addi %add3A_90, %add3A_129 : i32
      %dma_start3A_131 = arith.constant 0 : i32
      %dma_start3A_132 = arith.constant 0 : i32
      %dma_start3A_133 = arith.constant 0 : i32
      %dma_start3A_134 = tpu.memref_slice %arg9[%dma_start3A_131, %dma_start3A_132, %dma_start3A_133] : memref<2x128x64xf32, #tpu.memory_space<vmem>> -> memref<1x128x64xf32, #tpu.memory_space<vmem>>
      %dma_start3A_135 = tpu.memref_squeeze %dma_start3A_134 : memref<1x128x64xf32, #tpu.memory_space<vmem>> -> memref<128x64xf32, #tpu.memory_space<vmem>>
      %dma_start3A_136 = arith.constant 0 : i32
      %dma_start3A_137 = tpu.memref_slice %arg7[%add3A_130, %dma_start3A_136] : memref<79x128xi32, #tpu.memory_space<vmem>> -> memref<1x128xi32, #tpu.memory_space<vmem>>
      %dma_start3A_138 = tpu.memref_squeeze %dma_start3A_137 : memref<1x128xi32, #tpu.memory_space<vmem>> -> memref<128xi32, #tpu.memory_space<vmem>>
      %dma_start3A_139 = arith.constant 0 : i32
      %dma_start3A_140 = arith.constant 0 : i32
      %dma_start3A_141 = tpu.memref_slice %arg11[%dma_start3A_139, %dma_start3A_140] : memref<10000x64xf32, #tpu.memory_space<vmem_shared>> -> memref<10000x64xf32, #tpu.memory_space<vmem_shared>>
      tpu.enqueue_indirect_dma source(%dma_start3A_141 : memref<10000x64xf32, #tpu.memory_space<vmem_shared>>) target(%dma_start3A_135 : memref<128x64xf32, #tpu.memory_space<vmem>>) offsets(%dma_start3A_138 : memref<128xi32, #tpu.memory_space<vmem>>) semaphore(%arg12 : memref<!tpu.dma_semaphore, #tpu.memory_space<semaphore_mem>>)
      %add3A_142 = arith.constant 1 : i32
      %add3A_143 = arith.addi %add3A_90, %add3A_142 : i32
      %run_scoped3A_144 = arith.constant 1 : i32
      "tpu.region"() ({
        %run_scoped3A_145 = tpu.sem_alloc : memref<!tpu.dma_semaphore, #tpu.memory_space<semaphore_mem>>
        %dma_start3A_146 = arith.constant 0 : i32
        %dma_start3A_147 = arith.constant 0 : i32
        %dma_start3A_148 = tpu.memref_slice %arg9[%run_scoped3A_144, %dma_start3A_146, %dma_start3A_147] : memref<2x128x64xf32, #tpu.memory_space<vmem>> -> memref<1x128x64xf32, #tpu.memory_space<vmem>>
        %dma_start3A_149 = tpu.memref_squeeze %dma_start3A_148 : memref<1x128x64xf32, #tpu.memory_space<vmem>> -> memref<128x64xf32, #tpu.memory_space<vmem>>
        %dma_start3A_150 = arith.constant 0 : i32
        %dma_start3A_151 = tpu.memref_slice %arg8[%add3A_143, %dma_start3A_150] : memref<79x128xi32, #tpu.memory_space<vmem>> -> memref<1x128xi32, #tpu.memory_space<vmem>>
        %dma_start3A_152 = tpu.memref_squeeze %dma_start3A_151 : memref<1x128xi32, #tpu.memory_space<vmem>> -> memref<128xi32, #tpu.memory_space<vmem>>
        %dma_start3A_153 = arith.constant 0 : i32
        %dma_start3A_154 = arith.constant 0 : i32
        %dma_start3A_155 = tpu.memref_slice %arg10[%dma_start3A_153, %dma_start3A_154] : memref<10240x64xf32, #tpu.memory_space<vmem_shared>> -> memref<10240x64xf32, #tpu.memory_space<vmem_shared>>
        tpu.enqueue_indirect_dma source(%dma_start3A_149 : memref<128x64xf32, #tpu.memory_space<vmem>>) target(%dma_start3A_155 : memref<10240x64xf32, #tpu.memory_space<vmem_shared>>) offsets(%dma_start3A_152 : memref<128xi32, #tpu.memory_space<vmem>>) semaphore(%run_scoped3A_145 : memref<!tpu.dma_semaphore, #tpu.memory_space<semaphore_mem>>) {add = true}
        %dma_wait3A_156 = arith.constant 0 : i32
        %dma_wait3A_157 = arith.constant 0 : i32
        %dma_wait3A_158 = tpu.memref_slice %arg9[%run_scoped3A_144, %dma_wait3A_156, %dma_wait3A_157] : memref<2x128x64xf32, #tpu.memory_space<vmem>> -> memref<1x128x64xf32, #tpu.memory_space<vmem>>
        %dma_wait3A_159 = tpu.memref_squeeze %dma_wait3A_158 : memref<1x128x64xf32, #tpu.memory_space<vmem>> -> memref<128x64xf32, #tpu.memory_space<vmem>>
        %dma_wait3A_160 = arith.constant 0 : i32
        %dma_wait3A_161 = tpu.memref_slice %arg8[%add3A_143, %dma_wait3A_160] : memref<79x128xi32, #tpu.memory_space<vmem>> -> memref<1x128xi32, #tpu.memory_space<vmem>>
        %dma_wait3A_162 = tpu.memref_squeeze %dma_wait3A_161 : memref<1x128xi32, #tpu.memory_space<vmem>> -> memref<128xi32, #tpu.memory_space<vmem>>
        %dma_wait3A_163 = arith.constant 0 : i32
        %dma_wait3A_164 = arith.constant 0 : i32
        %dma_wait3A_165 = tpu.memref_slice %arg10[%dma_wait3A_163, %dma_wait3A_164] : memref<10240x64xf32, #tpu.memory_space<vmem_shared>> -> memref<10240x64xf32, #tpu.memory_space<vmem_shared>>
        tpu.wait_indirect_dma semaphore(%run_scoped3A_145 : memref<!tpu.dma_semaphore, #tpu.memory_space<semaphore_mem>>) src(%dma_wait3A_159 : memref<128x64xf32, #tpu.memory_space<vmem>>) dst(%dma_wait3A_165 : memref<10240x64xf32, #tpu.memory_space<vmem_shared>>)
        tpu.yield
      }) : () -> ()
    }
    %scan3A_68 = arith.constant 39 : i32
    %dma_wait3A_69 = arith.constant 78 : i32
    %dma_wait3A_70 = arith.constant 0 : i32
    %dma_wait3A_71 = arith.constant 0 : i32
    %dma_wait3A_72 = arith.constant 0 : i32
    %dma_wait3A_73 = tpu.memref_slice %arg9[%dma_wait3A_70, %dma_wait3A_71, %dma_wait3A_72] : memref<2x128x64xf32, #tpu.memory_space<vmem>> -> memref<1x128x64xf32, #tpu.memory_space<vmem>>
    %dma_wait3A_74 = tpu.memref_squeeze %dma_wait3A_73 : memref<1x128x64xf32, #tpu.memory_space<vmem>> -> memref<128x64xf32, #tpu.memory_space<vmem>>
    %dma_wait3A_75 = arith.constant 0 : i32
    %dma_wait3A_76 = tpu.memref_slice %arg7[%dma_wait3A_69, %dma_wait3A_75] : memref<79x128xi32, #tpu.memory_space<vmem>> -> memref<1x128xi32, #tpu.memory_space<vmem>>
    %dma_wait3A_77 = tpu.memref_squeeze %dma_wait3A_76 : memref<1x128xi32, #tpu.memory_space<vmem>> -> memref<128xi32, #tpu.memory_space<vmem>>
    %dma_wait3A_78 = arith.constant 0 : i32
    %dma_wait3A_79 = arith.constant 0 : i32
    %dma_wait3A_80 = tpu.memref_slice %arg11[%dma_wait3A_78, %dma_wait3A_79] : memref<10000x64xf32, #tpu.memory_space<vmem_shared>> -> memref<10000x64xf32, #tpu.memory_space<vmem_shared>>
    tpu.wait_indirect_dma semaphore(%arg12 : memref<!tpu.dma_semaphore, #tpu.memory_space<semaphore_mem>>) src(%dma_wait3A_80 : memref<10000x64xf32, #tpu.memory_space<vmem_shared>>) dst(%dma_wait3A_74 : memref<128x64xf32, #tpu.memory_space<vmem>>)
    %run_scoped3A = arith.constant 0 : i32
    %run_scoped3A_81 = arith.constant 78 : i32
    "tpu.region"() ({
      %run_scoped3A_87 = tpu.sem_alloc : memref<!tpu.dma_semaphore, #tpu.memory_space<semaphore_mem>>
      %dma_start3A_88 = arith.constant 0 : i32
      %dma_start3A_89 = arith.constant 0 : i32
      %dma_start3A_90 = tpu.memref_slice %arg9[%run_scoped3A, %dma_start3A_88, %dma_start3A_89] : memref<2x128x64xf32, #tpu.memory_space<vmem>> -> memref<1x128x64xf32, #tpu.memory_space<vmem>>
      %dma_start3A_91 = tpu.memref_squeeze %dma_start3A_90 : memref<1x128x64xf32, #tpu.memory_space<vmem>> -> memref<128x64xf32, #tpu.memory_space<vmem>>
      %dma_start3A_92 = arith.constant 0 : i32
      %dma_start3A_93 = tpu.memref_slice %arg8[%run_scoped3A_81, %dma_start3A_92] : memref<79x128xi32, #tpu.memory_space<vmem>> -> memref<1x128xi32, #tpu.memory_space<vmem>>
      %dma_start3A_94 = tpu.memref_squeeze %dma_start3A_93 : memref<1x128xi32, #tpu.memory_space<vmem>> -> memref<128xi32, #tpu.memory_space<vmem>>
      %dma_start3A_95 = arith.constant 0 : i32
      %dma_start3A_96 = arith.constant 0 : i32
      %dma_start3A_97 = tpu.memref_slice %arg10[%dma_start3A_95, %dma_start3A_96] : memref<10240x64xf32, #tpu.memory_space<vmem_shared>> -> memref<10240x64xf32, #tpu.memory_space<vmem_shared>>
      tpu.enqueue_indirect_dma source(%dma_start3A_91 : memref<128x64xf32, #tpu.memory_space<vmem>>) target(%dma_start3A_97 : memref<10240x64xf32, #tpu.memory_space<vmem_shared>>) offsets(%dma_start3A_94 : memref<128xi32, #tpu.memory_space<vmem>>) semaphore(%run_scoped3A_87 : memref<!tpu.dma_semaphore, #tpu.memory_space<semaphore_mem>>) {add = true}
      %dma_wait3A_98 = arith.constant 0 : i32
      %dma_wait3A_99 = arith.constant 0 : i32
      %dma_wait3A_100 = tpu.memref_slice %arg9[%run_scoped3A, %dma_wait3A_98, %dma_wait3A_99] : memref<2x128x64xf32, #tpu.memory_space<vmem>> -> memref<1x128x64xf32, #tpu.memory_space<vmem>>
      %dma_wait3A_101 = tpu.memref_squeeze %dma_wait3A_100 : memref<1x128x64xf32, #tpu.memory_space<vmem>> -> memref<128x64xf32, #tpu.memory_space<vmem>>
      %dma_wait3A_102 = arith.constant 0 : i32
      %dma_wait3A_103 = tpu.memref_slice %arg8[%run_scoped3A_81, %dma_wait3A_102] : memref<79x128xi32, #tpu.memory_space<vmem>> -> memref<1x128xi32, #tpu.memory_space<vmem>>
      %dma_wait3A_104 = tpu.memref_squeeze %dma_wait3A_103 : memref<1x128xi32, #tpu.memory_space<vmem>> -> memref<128xi32, #tpu.memory_space<vmem>>
      %dma_wait3A_105 = arith.constant 0 : i32
      %dma_wait3A_106 = arith.constant 0 : i32
      %dma_wait3A_107 = tpu.memref_slice %arg10[%dma_wait3A_105, %dma_wait3A_106] : memref<10240x64xf32, #tpu.memory_space<vmem_shared>> -> memref<10240x64xf32, #tpu.memory_space<vmem_shared>>
      tpu.wait_indirect_dma semaphore(%run_scoped3A_87 : memref<!tpu.dma_semaphore, #tpu.memory_space<semaphore_mem>>) src(%dma_wait3A_101 : memref<128x64xf32, #tpu.memory_space<vmem>>) dst(%dma_wait3A_107 : memref<10240x64xf32, #tpu.memory_space<vmem_shared>>)
      tpu.yield
    }) : () -> ()
    %barrier3A_82 = arith.constant 0 : index
    tpu.barrier barrier_id(%barrier3A_82)
    %mul3A_83 = arith.constant 625 : i32
    %mul3A_84 = arith.muli %arg1, %mul3A_83 : i32
    %mul3A_85 = arith.constant 625 : i32
    %mul3A_86 = arith.muli %arg1, %mul3A_85 : i32
    "tpu.region"() ({
      %run_scoped3A_87 = tpu.sem_alloc : memref<!tpu.dma_semaphore, #tpu.memory_space<semaphore_mem>>
      %dma_start3A_88 = arith.constant 0 : i32
      %dma_start3A_89 = tpu.memref_slice %arg6[%arg0, %mul3A_86, %dma_start3A_88] : memref<2x10000x64xf32, #tpu.memory_space<hbm>> -> memref<1x625x64xf32, #tpu.memory_space<hbm>>
      %dma_start3A_90 = tpu.memref_squeeze %dma_start3A_89 : memref<1x625x64xf32, #tpu.memory_space<hbm>> -> memref<625x64xf32, #tpu.memory_space<hbm>>
      %dma_start3A_91 = arith.constant 0 : i32
      %dma_start3A_92 = tpu.memref_slice %arg10[%mul3A_84, %dma_start3A_91] : memref<10240x64xf32, #tpu.memory_space<vmem_shared>> -> memref<625x64xf32, #tpu.memory_space<vmem_shared>>
      tpu.enqueue_dma source(%dma_start3A_92 : memref<625x64xf32, #tpu.memory_space<vmem_shared>>) target(%dma_start3A_90 : memref<625x64xf32, #tpu.memory_space<hbm>>) target_semaphore(%run_scoped3A_87 : memref<!tpu.dma_semaphore, #tpu.memory_space<semaphore_mem>>)
      %dma_wait3A_93 = arith.constant 0 : i32
      %dma_wait3A_94 = tpu.memref_slice %arg6[%arg0, %mul3A_86, %dma_wait3A_93] : memref<2x10000x64xf32, #tpu.memory_space<hbm>> -> memref<1x625x64xf32, #tpu.memory_space<hbm>>
      %dma_wait3A_95 = tpu.memref_squeeze %dma_wait3A_94 : memref<1x625x64xf32, #tpu.memory_space<hbm>> -> memref<625x64xf32, #tpu.memory_space<hbm>>
      %dma_wait3A_96 = arith.constant 0 : i32
      %dma_wait3A_97 = tpu.memref_slice %arg10[%mul3A_84, %dma_wait3A_96] : memref<10240x64xf32, #tpu.memory_space<vmem_shared>> -> memref<625x64xf32, #tpu.memory_space<vmem_shared>>
      tpu.wait_dma2 semaphore(%run_scoped3A_87 : memref<!tpu.dma_semaphore, #tpu.memory_space<semaphore_mem>>) src(%dma_wait3A_97 : memref<625x64xf32, #tpu.memory_space<vmem_shared>>) dst(%dma_wait3A_95 : memref<625x64xf32, #tpu.memory_space<hbm>>)
      tpu.yield
    }) : () -> ()
    return
  }
}

#map = affine_map<(d0, d1) -> (0, 0)>
#map1 = affine_map<(d0, d1) -> (0, 0, 0, 0)>
#map2 = affine_map<(d0, d1) -> (0, 0, 0)>
module attributes {stable_mosaic.version = 14 : i64} {
  func.func @_agg_kernel(%arg0: i32, %arg1: i32, %arg2: memref<10000x64xf32, #tpu.memory_space<hbm>>, %arg3: memref<2x16x79x128xi32, #tpu.memory_space<hbm>>, %arg4: memref<2x16x79x128xi32, #tpu.memory_space<hbm>>, %arg5: memref<625x64xf32, #tpu.memory_space<hbm>>, %arg6: memref<2x10000x64xf32, #tpu.memory_space<hbm>>, %arg7: memref<79x128xi32, #tpu.memory_space<vmem>>, %arg8: memref<79x128xi32, #tpu.memory_space<vmem>>, %arg9: memref<2x128x64xf32, #tpu.memory_space<vmem>>, %arg10: memref<10240x64xf32, #tpu.memory_space<vmem_shared>>, %arg11: memref<10000x64xf32, #tpu.memory_space<vmem_shared>>, %arg12: memref<!tpu.dma_semaphore, #tpu.memory_space<semaphore_mem>>, %arg13: memref<!tpu.dma_semaphore, #tpu.memory_space<semaphore_mem>>, %arg14: memref<!tpu.dma_semaphore, #tpu.memory_space<semaphore_mem>>, %arg15: memref<!tpu.dma_semaphore, #tpu.memory_space<semaphore_mem>>) attributes {dimension_semantics = [#tpu.dimension_semantics<core_parallel>, #tpu.dimension_semantics<subcore_parallel>], iteration_bounds = array<i64: 2, 16>, scalar_prefetch = 0 : i64, scratch_operands = 9 : i64, tpu.core_type = #tpu.core_type<sc_vector_subcore>, window_params = [{transform_indices = #map}, {transform_indices = #map1}, {transform_indices = #map1}, {transform_indices = #map}, {transform_indices = #map2}]} {
    %dma_start3A = arith.constant 0 : i32
    %dma_start3A_0 = arith.constant 0 : i32
    %dma_start3A_1 = tpu.memref_slice %arg3[%arg0, %arg1, %dma_start3A, %dma_start3A_0] : memref<2x16x79x128xi32, #tpu.memory_space<hbm>> -> memref<1x1x79x128xi32, #tpu.memory_space<hbm>>
    %dma_start3A_2 = tpu.memref_squeeze %dma_start3A_1 : memref<1x1x79x128xi32, #tpu.memory_space<hbm>> -> memref<79x128xi32, #tpu.memory_space<hbm>>
    %dma_start3A_3 = arith.constant 0 : i32
    %dma_start3A_4 = arith.constant 0 : i32
    %dma_start3A_5 = tpu.memref_slice %arg3[%arg0, %arg1, %dma_start3A_3, %dma_start3A_4] : memref<2x16x79x128xi32, #tpu.memory_space<hbm>> -> memref<1x1x79x128xi32, #tpu.memory_space<hbm>>
    %dma_start3A_6 = tpu.memref_squeeze %dma_start3A_5 : memref<1x1x79x128xi32, #tpu.memory_space<hbm>> -> memref<79x128xi32, #tpu.memory_space<hbm>>
    tpu.enqueue_dma source(%dma_start3A_6 : memref<79x128xi32, #tpu.memory_space<hbm>>) target(%arg7 : memref<79x128xi32, #tpu.memory_space<vmem>>) target_semaphore(%arg12 : memref<!tpu.dma_semaphore, #tpu.memory_space<semaphore_mem>>)
    %dma_start3A_7 = arith.constant 0 : i32
    %dma_start3A_8 = arith.constant 0 : i32
    %dma_start3A_9 = tpu.memref_slice %arg4[%arg0, %arg1, %dma_start3A_7, %dma_start3A_8] : memref<2x16x79x128xi32, #tpu.memory_space<hbm>> -> memref<1x1x79x128xi32, #tpu.memory_space<hbm>>
    %dma_start3A_10 = tpu.memref_squeeze %dma_start3A_9 : memref<1x1x79x128xi32, #tpu.memory_space<hbm>> -> memref<79x128xi32, #tpu.memory_space<hbm>>
    %dma_start3A_11 = arith.constant 0 : i32
    %dma_start3A_12 = arith.constant 0 : i32
    %dma_start3A_13 = tpu.memref_slice %arg4[%arg0, %arg1, %dma_start3A_11, %dma_start3A_12] : memref<2x16x79x128xi32, #tpu.memory_space<hbm>> -> memref<1x1x79x128xi32, #tpu.memory_space<hbm>>
    %dma_start3A_14 = tpu.memref_squeeze %dma_start3A_13 : memref<1x1x79x128xi32, #tpu.memory_space<hbm>> -> memref<79x128xi32, #tpu.memory_space<hbm>>
    tpu.enqueue_dma source(%dma_start3A_14 : memref<79x128xi32, #tpu.memory_space<hbm>>) target(%arg8 : memref<79x128xi32, #tpu.memory_space<vmem>>) target_semaphore(%arg13 : memref<!tpu.dma_semaphore, #tpu.memory_space<semaphore_mem>>)
    %mul3A = arith.constant 625 : i32
    %mul3A_15 = arith.muli %arg1, %mul3A : i32
    %dma_start3A_16 = arith.constant 0 : i32
    %dma_start3A_17 = tpu.memref_slice %arg10[%mul3A_15, %dma_start3A_16] : memref<10240x64xf32, #tpu.memory_space<vmem_shared>> -> memref<625x64xf32, #tpu.memory_space<vmem_shared>>
    tpu.enqueue_dma source(%arg5 : memref<625x64xf32, #tpu.memory_space<hbm>>) target(%dma_start3A_17 : memref<625x64xf32, #tpu.memory_space<vmem_shared>>) target_semaphore(%arg14 : memref<!tpu.dma_semaphore, #tpu.memory_space<semaphore_mem>>)
    %mul3A_18 = arith.constant 625 : i32
    %mul3A_19 = arith.muli %arg1, %mul3A_18 : i32
    %mul3A_20 = arith.constant 625 : i32
    %mul3A_21 = arith.muli %arg1, %mul3A_20 : i32
    %dma_start3A_22 = arith.constant 0 : i32
    %dma_start3A_23 = tpu.memref_slice %arg11[%mul3A_21, %dma_start3A_22] : memref<10000x64xf32, #tpu.memory_space<vmem_shared>> -> memref<625x64xf32, #tpu.memory_space<vmem_shared>>
    %dma_start3A_24 = arith.constant 0 : i32
    %dma_start3A_25 = tpu.memref_slice %arg2[%mul3A_19, %dma_start3A_24] : memref<10000x64xf32, #tpu.memory_space<hbm>> -> memref<625x64xf32, #tpu.memory_space<hbm>>
    tpu.enqueue_dma source(%dma_start3A_25 : memref<625x64xf32, #tpu.memory_space<hbm>>) target(%dma_start3A_23 : memref<625x64xf32, #tpu.memory_space<vmem_shared>>) target_semaphore(%arg15 : memref<!tpu.dma_semaphore, #tpu.memory_space<semaphore_mem>>)
    %dma_wait3A = arith.constant 0 : i32
    %dma_wait3A_26 = arith.constant 0 : i32
    %dma_wait3A_27 = tpu.memref_slice %arg3[%arg0, %arg1, %dma_wait3A, %dma_wait3A_26] : memref<2x16x79x128xi32, #tpu.memory_space<hbm>> -> memref<1x1x79x128xi32, #tpu.memory_space<hbm>>
    %dma_wait3A_28 = tpu.memref_squeeze %dma_wait3A_27 : memref<1x1x79x128xi32, #tpu.memory_space<hbm>> -> memref<79x128xi32, #tpu.memory_space<hbm>>
    %dma_wait3A_29 = arith.constant 0 : i32
    %dma_wait3A_30 = arith.constant 0 : i32
    %dma_wait3A_31 = tpu.memref_slice %arg3[%arg0, %arg1, %dma_wait3A_29, %dma_wait3A_30] : memref<2x16x79x128xi32, #tpu.memory_space<hbm>> -> memref<1x1x79x128xi32, #tpu.memory_space<hbm>>
    %dma_wait3A_32 = tpu.memref_squeeze %dma_wait3A_31 : memref<1x1x79x128xi32, #tpu.memory_space<hbm>> -> memref<79x128xi32, #tpu.memory_space<hbm>>
    tpu.wait_dma2 semaphore(%arg12 : memref<!tpu.dma_semaphore, #tpu.memory_space<semaphore_mem>>) src(%dma_wait3A_32 : memref<79x128xi32, #tpu.memory_space<hbm>>) dst(%arg7 : memref<79x128xi32, #tpu.memory_space<vmem>>)
    %dma_wait3A_33 = arith.constant 0 : i32
    %dma_wait3A_34 = arith.constant 0 : i32
    %dma_wait3A_35 = tpu.memref_slice %arg4[%arg0, %arg1, %dma_wait3A_33, %dma_wait3A_34] : memref<2x16x79x128xi32, #tpu.memory_space<hbm>> -> memref<1x1x79x128xi32, #tpu.memory_space<hbm>>
    %dma_wait3A_36 = tpu.memref_squeeze %dma_wait3A_35 : memref<1x1x79x128xi32, #tpu.memory_space<hbm>> -> memref<79x128xi32, #tpu.memory_space<hbm>>
    %dma_wait3A_37 = arith.constant 0 : i32
    %dma_wait3A_38 = arith.constant 0 : i32
    %dma_wait3A_39 = tpu.memref_slice %arg4[%arg0, %arg1, %dma_wait3A_37, %dma_wait3A_38] : memref<2x16x79x128xi32, #tpu.memory_space<hbm>> -> memref<1x1x79x128xi32, #tpu.memory_space<hbm>>
    %dma_wait3A_40 = tpu.memref_squeeze %dma_wait3A_39 : memref<1x1x79x128xi32, #tpu.memory_space<hbm>> -> memref<79x128xi32, #tpu.memory_space<hbm>>
    tpu.wait_dma2 semaphore(%arg13 : memref<!tpu.dma_semaphore, #tpu.memory_space<semaphore_mem>>) src(%dma_wait3A_40 : memref<79x128xi32, #tpu.memory_space<hbm>>) dst(%arg8 : memref<79x128xi32, #tpu.memory_space<vmem>>)
    %mul3A_41 = arith.constant 625 : i32
    %mul3A_42 = arith.muli %arg1, %mul3A_41 : i32
    %dma_wait3A_43 = arith.constant 0 : i32
    %dma_wait3A_44 = tpu.memref_slice %arg10[%mul3A_42, %dma_wait3A_43] : memref<10240x64xf32, #tpu.memory_space<vmem_shared>> -> memref<625x64xf32, #tpu.memory_space<vmem_shared>>
    tpu.wait_dma2 semaphore(%arg14 : memref<!tpu.dma_semaphore, #tpu.memory_space<semaphore_mem>>) src(%arg5 : memref<625x64xf32, #tpu.memory_space<hbm>>) dst(%dma_wait3A_44 : memref<625x64xf32, #tpu.memory_space<vmem_shared>>)
    %mul3A_45 = arith.constant 625 : i32
    %mul3A_46 = arith.muli %arg1, %mul3A_45 : i32
    %mul3A_47 = arith.constant 625 : i32
    %mul3A_48 = arith.muli %arg1, %mul3A_47 : i32
    %dma_wait3A_49 = arith.constant 0 : i32
    %dma_wait3A_50 = tpu.memref_slice %arg11[%mul3A_48, %dma_wait3A_49] : memref<10000x64xf32, #tpu.memory_space<vmem_shared>> -> memref<625x64xf32, #tpu.memory_space<vmem_shared>>
    %dma_wait3A_51 = arith.constant 0 : i32
    %dma_wait3A_52 = tpu.memref_slice %arg2[%mul3A_46, %dma_wait3A_51] : memref<10000x64xf32, #tpu.memory_space<hbm>> -> memref<625x64xf32, #tpu.memory_space<hbm>>
    tpu.wait_dma2 semaphore(%arg15 : memref<!tpu.dma_semaphore, #tpu.memory_space<semaphore_mem>>) src(%dma_wait3A_52 : memref<625x64xf32, #tpu.memory_space<hbm>>) dst(%dma_wait3A_50 : memref<625x64xf32, #tpu.memory_space<vmem_shared>>)
    %barrier3A = arith.constant 0 : index
    tpu.barrier barrier_id(%barrier3A)
    %dma_start3A_53 = arith.constant 0 : i32
    %dma_start3A_54 = arith.constant 0 : i32
    %dma_start3A_55 = arith.constant 0 : i32
    %dma_start3A_56 = arith.constant 0 : i32
    %dma_start3A_57 = tpu.memref_slice %arg9[%dma_start3A_54, %dma_start3A_55, %dma_start3A_56] : memref<2x128x64xf32, #tpu.memory_space<vmem>> -> memref<1x128x64xf32, #tpu.memory_space<vmem>>
    %dma_start3A_58 = tpu.memref_squeeze %dma_start3A_57 : memref<1x128x64xf32, #tpu.memory_space<vmem>> -> memref<128x64xf32, #tpu.memory_space<vmem>>
    %dma_start3A_59 = arith.constant 0 : i32
    %dma_start3A_60 = tpu.memref_slice %arg7[%dma_start3A_53, %dma_start3A_59] : memref<79x128xi32, #tpu.memory_space<vmem>> -> memref<1x128xi32, #tpu.memory_space<vmem>>
    %dma_start3A_61 = tpu.memref_squeeze %dma_start3A_60 : memref<1x128xi32, #tpu.memory_space<vmem>> -> memref<128xi32, #tpu.memory_space<vmem>>
    %dma_start3A_62 = arith.constant 0 : i32
    %dma_start3A_63 = arith.constant 0 : i32
    %dma_start3A_64 = tpu.memref_slice %arg11[%dma_start3A_62, %dma_start3A_63] : memref<10000x64xf32, #tpu.memory_space<vmem_shared>> -> memref<10000x64xf32, #tpu.memory_space<vmem_shared>>
    tpu.enqueue_indirect_dma source(%dma_start3A_64 : memref<10000x64xf32, #tpu.memory_space<vmem_shared>>) target(%dma_start3A_58 : memref<128x64xf32, #tpu.memory_space<vmem>>) offsets(%dma_start3A_61 : memref<128xi32, #tpu.memory_space<vmem>>) semaphore(%arg12 : memref<!tpu.dma_semaphore, #tpu.memory_space<semaphore_mem>>)
    %scan3A = arith.constant 0 : i32
    %scan3A_65 = arith.constant 39 : i32
    %scan3A_66 = arith.addi %scan3A, %scan3A_65 : i32
    %scan3A_67 = arith.constant 1 : i32
    scf.for %scan3A_87 = %scan3A to %scan3A_66 step %scan3A_67  : i32 {
      %mul3A_88 = arith.constant 2 : i32
      %mul3A_89 = arith.muli %scan3A_87, %mul3A_88 : i32
      %add3A = arith.constant 0 : i32
      %add3A_90 = arith.addi %add3A, %mul3A_89 : i32
      %dma_wait3A_91 = arith.constant 0 : i32
      %dma_wait3A_92 = arith.constant 0 : i32
      %dma_wait3A_93 = arith.constant 0 : i32
      %dma_wait3A_94 = tpu.memref_slice %arg9[%dma_wait3A_91, %dma_wait3A_92, %dma_wait3A_93] : memref<2x128x64xf32, #tpu.memory_space<vmem>> -> memref<1x128x64xf32, #tpu.memory_space<vmem>>
      %dma_wait3A_95 = tpu.memref_squeeze %dma_wait3A_94 : memref<1x128x64xf32, #tpu.memory_space<vmem>> -> memref<128x64xf32, #tpu.memory_space<vmem>>
      %dma_wait3A_96 = arith.constant 0 : i32
      %dma_wait3A_97 = tpu.memref_slice %arg7[%add3A_90, %dma_wait3A_96] : memref<79x128xi32, #tpu.memory_space<vmem>> -> memref<1x128xi32, #tpu.memory_space<vmem>>
      %dma_wait3A_98 = tpu.memref_squeeze %dma_wait3A_97 : memref<1x128xi32, #tpu.memory_space<vmem>> -> memref<128xi32, #tpu.memory_space<vmem>>
      %dma_wait3A_99 = arith.constant 0 : i32
      %dma_wait3A_100 = arith.constant 0 : i32
      %dma_wait3A_101 = tpu.memref_slice %arg11[%dma_wait3A_99, %dma_wait3A_100] : memref<10000x64xf32, #tpu.memory_space<vmem_shared>> -> memref<10000x64xf32, #tpu.memory_space<vmem_shared>>
      tpu.wait_indirect_dma semaphore(%arg12 : memref<!tpu.dma_semaphore, #tpu.memory_space<semaphore_mem>>) src(%dma_wait3A_101 : memref<10000x64xf32, #tpu.memory_space<vmem_shared>>) dst(%dma_wait3A_95 : memref<128x64xf32, #tpu.memory_space<vmem>>)
      %add3A_102 = arith.constant 1 : i32
      %add3A_103 = arith.addi %add3A_90, %add3A_102 : i32
      %dma_start3A_104 = arith.constant 1 : i32
      %dma_start3A_105 = arith.constant 0 : i32
      %dma_start3A_106 = arith.constant 0 : i32
      %dma_start3A_107 = tpu.memref_slice %arg9[%dma_start3A_104, %dma_start3A_105, %dma_start3A_106] : memref<2x128x64xf32, #tpu.memory_space<vmem>> -> memref<1x128x64xf32, #tpu.memory_space<vmem>>
      %dma_start3A_108 = tpu.memref_squeeze %dma_start3A_107 : memref<1x128x64xf32, #tpu.memory_space<vmem>> -> memref<128x64xf32, #tpu.memory_space<vmem>>
      %dma_start3A_109 = arith.constant 0 : i32
      %dma_start3A_110 = tpu.memref_slice %arg7[%add3A_103, %dma_start3A_109] : memref<79x128xi32, #tpu.memory_space<vmem>> -> memref<1x128xi32, #tpu.memory_space<vmem>>
      %dma_start3A_111 = tpu.memref_squeeze %dma_start3A_110 : memref<1x128xi32, #tpu.memory_space<vmem>> -> memref<128xi32, #tpu.memory_space<vmem>>
      %dma_start3A_112 = arith.constant 0 : i32
      %dma_start3A_113 = arith.constant 0 : i32
      %dma_start3A_114 = tpu.memref_slice %arg11[%dma_start3A_112, %dma_start3A_113] : memref<10000x64xf32, #tpu.memory_space<vmem_shared>> -> memref<10000x64xf32, #tpu.memory_space<vmem_shared>>
      tpu.enqueue_indirect_dma source(%dma_start3A_114 : memref<10000x64xf32, #tpu.memory_space<vmem_shared>>) target(%dma_start3A_108 : memref<128x64xf32, #tpu.memory_space<vmem>>) offsets(%dma_start3A_111 : memref<128xi32, #tpu.memory_space<vmem>>) semaphore(%arg13 : memref<!tpu.dma_semaphore, #tpu.memory_space<semaphore_mem>>)
      %run_scoped3A_115 = arith.constant 0 : i32
      "tpu.region"() ({
        %run_scoped3A_145 = tpu.sem_alloc : memref<!tpu.dma_semaphore, #tpu.memory_space<semaphore_mem>>
        %dma_start3A_146 = arith.constant 0 : i32
        %dma_start3A_147 = arith.constant 0 : i32
        %dma_start3A_148 = tpu.memref_slice %arg9[%run_scoped3A_115, %dma_start3A_146, %dma_start3A_147] : memref<2x128x64xf32, #tpu.memory_space<vmem>> -> memref<1x128x64xf32, #tpu.memory_space<vmem>>
        %dma_start3A_149 = tpu.memref_squeeze %dma_start3A_148 : memref<1x128x64xf32, #tpu.memory_space<vmem>> -> memref<128x64xf32, #tpu.memory_space<vmem>>
        %dma_start3A_150 = arith.constant 0 : i32
        %dma_start3A_151 = tpu.memref_slice %arg8[%add3A_90, %dma_start3A_150] : memref<79x128xi32, #tpu.memory_space<vmem>> -> memref<1x128xi32, #tpu.memory_space<vmem>>
        %dma_start3A_152 = tpu.memref_squeeze %dma_start3A_151 : memref<1x128xi32, #tpu.memory_space<vmem>> -> memref<128xi32, #tpu.memory_space<vmem>>
        %dma_start3A_153 = arith.constant 0 : i32
        %dma_start3A_154 = arith.constant 0 : i32
        %dma_start3A_155 = tpu.memref_slice %arg10[%dma_start3A_153, %dma_start3A_154] : memref<10240x64xf32, #tpu.memory_space<vmem_shared>> -> memref<10240x64xf32, #tpu.memory_space<vmem_shared>>
        tpu.enqueue_indirect_dma source(%dma_start3A_149 : memref<128x64xf32, #tpu.memory_space<vmem>>) target(%dma_start3A_155 : memref<10240x64xf32, #tpu.memory_space<vmem_shared>>) offsets(%dma_start3A_152 : memref<128xi32, #tpu.memory_space<vmem>>) semaphore(%run_scoped3A_145 : memref<!tpu.dma_semaphore, #tpu.memory_space<semaphore_mem>>) {add = true}
        %dma_wait3A_156 = arith.constant 0 : i32
        %dma_wait3A_157 = arith.constant 0 : i32
        %dma_wait3A_158 = tpu.memref_slice %arg9[%run_scoped3A_115, %dma_wait3A_156, %dma_wait3A_157] : memref<2x128x64xf32, #tpu.memory_space<vmem>> -> memref<1x128x64xf32, #tpu.memory_space<vmem>>
        %dma_wait3A_159 = tpu.memref_squeeze %dma_wait3A_158 : memref<1x128x64xf32, #tpu.memory_space<vmem>> -> memref<128x64xf32, #tpu.memory_space<vmem>>
        %dma_wait3A_160 = arith.constant 0 : i32
        %dma_wait3A_161 = tpu.memref_slice %arg8[%add3A_90, %dma_wait3A_160] : memref<79x128xi32, #tpu.memory_space<vmem>> -> memref<1x128xi32, #tpu.memory_space<vmem>>
        %dma_wait3A_162 = tpu.memref_squeeze %dma_wait3A_161 : memref<1x128xi32, #tpu.memory_space<vmem>> -> memref<128xi32, #tpu.memory_space<vmem>>
        %dma_wait3A_163 = arith.constant 0 : i32
        %dma_wait3A_164 = arith.constant 0 : i32
        %dma_wait3A_165 = tpu.memref_slice %arg10[%dma_wait3A_163, %dma_wait3A_164] : memref<10240x64xf32, #tpu.memory_space<vmem_shared>> -> memref<10240x64xf32, #tpu.memory_space<vmem_shared>>
        tpu.wait_indirect_dma semaphore(%run_scoped3A_145 : memref<!tpu.dma_semaphore, #tpu.memory_space<semaphore_mem>>) src(%dma_wait3A_159 : memref<128x64xf32, #tpu.memory_space<vmem>>) dst(%dma_wait3A_165 : memref<10240x64xf32, #tpu.memory_space<vmem_shared>>)
        tpu.yield
      }) : () -> ()
      %add3A_116 = arith.constant 1 : i32
      %add3A_117 = arith.addi %add3A_90, %add3A_116 : i32
      %dma_wait3A_118 = arith.constant 1 : i32
      %dma_wait3A_119 = arith.constant 0 : i32
      %dma_wait3A_120 = arith.constant 0 : i32
      %dma_wait3A_121 = tpu.memref_slice %arg9[%dma_wait3A_118, %dma_wait3A_119, %dma_wait3A_120] : memref<2x128x64xf32, #tpu.memory_space<vmem>> -> memref<1x128x64xf32, #tpu.memory_space<vmem>>
      %dma_wait3A_122 = tpu.memref_squeeze %dma_wait3A_121 : memref<1x128x64xf32, #tpu.memory_space<vmem>> -> memref<128x64xf32, #tpu.memory_space<vmem>>
      %dma_wait3A_123 = arith.constant 0 : i32
      %dma_wait3A_124 = tpu.memref_slice %arg7[%add3A_117, %dma_wait3A_123] : memref<79x128xi32, #tpu.memory_space<vmem>> -> memref<1x128xi32, #tpu.memory_space<vmem>>
      %dma_wait3A_125 = tpu.memref_squeeze %dma_wait3A_124 : memref<1x128xi32, #tpu.memory_space<vmem>> -> memref<128xi32, #tpu.memory_space<vmem>>
      %dma_wait3A_126 = arith.constant 0 : i32
      %dma_wait3A_127 = arith.constant 0 : i32
      %dma_wait3A_128 = tpu.memref_slice %arg11[%dma_wait3A_126, %dma_wait3A_127] : memref<10000x64xf32, #tpu.memory_space<vmem_shared>> -> memref<10000x64xf32, #tpu.memory_space<vmem_shared>>
      tpu.wait_indirect_dma semaphore(%arg13 : memref<!tpu.dma_semaphore, #tpu.memory_space<semaphore_mem>>) src(%dma_wait3A_128 : memref<10000x64xf32, #tpu.memory_space<vmem_shared>>) dst(%dma_wait3A_122 : memref<128x64xf32, #tpu.memory_space<vmem>>)
      %add3A_129 = arith.constant 2 : i32
      %add3A_130 = arith.addi %add3A_90, %add3A_129 : i32
      %dma_start3A_131 = arith.constant 0 : i32
      %dma_start3A_132 = arith.constant 0 : i32
      %dma_start3A_133 = arith.constant 0 : i32
      %dma_start3A_134 = tpu.memref_slice %arg9[%dma_start3A_131, %dma_start3A_132, %dma_start3A_133] : memref<2x128x64xf32, #tpu.memory_space<vmem>> -> memref<1x128x64xf32, #tpu.memory_space<vmem>>
      %dma_start3A_135 = tpu.memref_squeeze %dma_start3A_134 : memref<1x128x64xf32, #tpu.memory_space<vmem>> -> memref<128x64xf32, #tpu.memory_space<vmem>>
      %dma_start3A_136 = arith.constant 0 : i32
      %dma_start3A_137 = tpu.memref_slice %arg7[%add3A_130, %dma_start3A_136] : memref<79x128xi32, #tpu.memory_space<vmem>> -> memref<1x128xi32, #tpu.memory_space<vmem>>
      %dma_start3A_138 = tpu.memref_squeeze %dma_start3A_137 : memref<1x128xi32, #tpu.memory_space<vmem>> -> memref<128xi32, #tpu.memory_space<vmem>>
      %dma_start3A_139 = arith.constant 0 : i32
      %dma_start3A_140 = arith.constant 0 : i32
      %dma_start3A_141 = tpu.memref_slice %arg11[%dma_start3A_139, %dma_start3A_140] : memref<10000x64xf32, #tpu.memory_space<vmem_shared>> -> memref<10000x64xf32, #tpu.memory_space<vmem_shared>>
      tpu.enqueue_indirect_dma source(%dma_start3A_141 : memref<10000x64xf32, #tpu.memory_space<vmem_shared>>) target(%dma_start3A_135 : memref<128x64xf32, #tpu.memory_space<vmem>>) offsets(%dma_start3A_138 : memref<128xi32, #tpu.memory_space<vmem>>) semaphore(%arg12 : memref<!tpu.dma_semaphore, #tpu.memory_space<semaphore_mem>>)
      %add3A_142 = arith.constant 1 : i32
      %add3A_143 = arith.addi %add3A_90, %add3A_142 : i32
      %run_scoped3A_144 = arith.constant 1 : i32
      "tpu.region"() ({
        %run_scoped3A_145 = tpu.sem_alloc : memref<!tpu.dma_semaphore, #tpu.memory_space<semaphore_mem>>
        %dma_start3A_146 = arith.constant 0 : i32
        %dma_start3A_147 = arith.constant 0 : i32
        %dma_start3A_148 = tpu.memref_slice %arg9[%run_scoped3A_144, %dma_start3A_146, %dma_start3A_147] : memref<2x128x64xf32, #tpu.memory_space<vmem>> -> memref<1x128x64xf32, #tpu.memory_space<vmem>>
        %dma_start3A_149 = tpu.memref_squeeze %dma_start3A_148 : memref<1x128x64xf32, #tpu.memory_space<vmem>> -> memref<128x64xf32, #tpu.memory_space<vmem>>
        %dma_start3A_150 = arith.constant 0 : i32
        %dma_start3A_151 = tpu.memref_slice %arg8[%add3A_143, %dma_start3A_150] : memref<79x128xi32, #tpu.memory_space<vmem>> -> memref<1x128xi32, #tpu.memory_space<vmem>>
        %dma_start3A_152 = tpu.memref_squeeze %dma_start3A_151 : memref<1x128xi32, #tpu.memory_space<vmem>> -> memref<128xi32, #tpu.memory_space<vmem>>
        %dma_start3A_153 = arith.constant 0 : i32
        %dma_start3A_154 = arith.constant 0 : i32
        %dma_start3A_155 = tpu.memref_slice %arg10[%dma_start3A_153, %dma_start3A_154] : memref<10240x64xf32, #tpu.memory_space<vmem_shared>> -> memref<10240x64xf32, #tpu.memory_space<vmem_shared>>
        tpu.enqueue_indirect_dma source(%dma_start3A_149 : memref<128x64xf32, #tpu.memory_space<vmem>>) target(%dma_start3A_155 : memref<10240x64xf32, #tpu.memory_space<vmem_shared>>) offsets(%dma_start3A_152 : memref<128xi32, #tpu.memory_space<vmem>>) semaphore(%run_scoped3A_145 : memref<!tpu.dma_semaphore, #tpu.memory_space<semaphore_mem>>) {add = true}
        %dma_wait3A_156 = arith.constant 0 : i32
        %dma_wait3A_157 = arith.constant 0 : i32
        %dma_wait3A_158 = tpu.memref_slice %arg9[%run_scoped3A_144, %dma_wait3A_156, %dma_wait3A_157] : memref<2x128x64xf32, #tpu.memory_space<vmem>> -> memref<1x128x64xf32, #tpu.memory_space<vmem>>
        %dma_wait3A_159 = tpu.memref_squeeze %dma_wait3A_158 : memref<1x128x64xf32, #tpu.memory_space<vmem>> -> memref<128x64xf32, #tpu.memory_space<vmem>>
        %dma_wait3A_160 = arith.constant 0 : i32
        %dma_wait3A_161 = tpu.memref_slice %arg8[%add3A_143, %dma_wait3A_160] : memref<79x128xi32, #tpu.memory_space<vmem>> -> memref<1x128xi32, #tpu.memory_space<vmem>>
        %dma_wait3A_162 = tpu.memref_squeeze %dma_wait3A_161 : memref<1x128xi32, #tpu.memory_space<vmem>> -> memref<128xi32, #tpu.memory_space<vmem>>
        %dma_wait3A_163 = arith.constant 0 : i32
        %dma_wait3A_164 = arith.constant 0 : i32
        %dma_wait3A_165 = tpu.memref_slice %arg10[%dma_wait3A_163, %dma_wait3A_164] : memref<10240x64xf32, #tpu.memory_space<vmem_shared>> -> memref<10240x64xf32, #tpu.memory_space<vmem_shared>>
        tpu.wait_indirect_dma semaphore(%run_scoped3A_145 : memref<!tpu.dma_semaphore, #tpu.memory_space<semaphore_mem>>) src(%dma_wait3A_159 : memref<128x64xf32, #tpu.memory_space<vmem>>) dst(%dma_wait3A_165 : memref<10240x64xf32, #tpu.memory_space<vmem_shared>>)
        tpu.yield
      }) : () -> ()
    }
    %scan3A_68 = arith.constant 39 : i32
    %dma_wait3A_69 = arith.constant 78 : i32
    %dma_wait3A_70 = arith.constant 0 : i32
    %dma_wait3A_71 = arith.constant 0 : i32
    %dma_wait3A_72 = arith.constant 0 : i32
    %dma_wait3A_73 = tpu.memref_slice %arg9[%dma_wait3A_70, %dma_wait3A_71, %dma_wait3A_72] : memref<2x128x64xf32, #tpu.memory_space<vmem>> -> memref<1x128x64xf32, #tpu.memory_space<vmem>>
    %dma_wait3A_74 = tpu.memref_squeeze %dma_wait3A_73 : memref<1x128x64xf32, #tpu.memory_space<vmem>> -> memref<128x64xf32, #tpu.memory_space<vmem>>
    %dma_wait3A_75 = arith.constant 0 : i32
    %dma_wait3A_76 = tpu.memref_slice %arg7[%dma_wait3A_69, %dma_wait3A_75] : memref<79x128xi32, #tpu.memory_space<vmem>> -> memref<1x128xi32, #tpu.memory_space<vmem>>
    %dma_wait3A_77 = tpu.memref_squeeze %dma_wait3A_76 : memref<1x128xi32, #tpu.memory_space<vmem>> -> memref<128xi32, #tpu.memory_space<vmem>>
    %dma_wait3A_78 = arith.constant 0 : i32
    %dma_wait3A_79 = arith.constant 0 : i32
    %dma_wait3A_80 = tpu.memref_slice %arg11[%dma_wait3A_78, %dma_wait3A_79] : memref<10000x64xf32, #tpu.memory_space<vmem_shared>> -> memref<10000x64xf32, #tpu.memory_space<vmem_shared>>
    tpu.wait_indirect_dma semaphore(%arg12 : memref<!tpu.dma_semaphore, #tpu.memory_space<semaphore_mem>>) src(%dma_wait3A_80 : memref<10000x64xf32, #tpu.memory_space<vmem_shared>>) dst(%dma_wait3A_74 : memref<128x64xf32, #tpu.memory_space<vmem>>)
    %run_scoped3A = arith.constant 0 : i32
    %run_scoped3A_81 = arith.constant 78 : i32
    "tpu.region"() ({
      %run_scoped3A_87 = tpu.sem_alloc : memref<!tpu.dma_semaphore, #tpu.memory_space<semaphore_mem>>
      %dma_start3A_88 = arith.constant 0 : i32
      %dma_start3A_89 = arith.constant 0 : i32
      %dma_start3A_90 = tpu.memref_slice %arg9[%run_scoped3A, %dma_start3A_88, %dma_start3A_89] : memref<2x128x64xf32, #tpu.memory_space<vmem>> -> memref<1x128x64xf32, #tpu.memory_space<vmem>>
      %dma_start3A_91 = tpu.memref_squeeze %dma_start3A_90 : memref<1x128x64xf32, #tpu.memory_space<vmem>> -> memref<128x64xf32, #tpu.memory_space<vmem>>
      %dma_start3A_92 = arith.constant 0 : i32
      %dma_start3A_93 = tpu.memref_slice %arg8[%run_scoped3A_81, %dma_start3A_92] : memref<79x128xi32, #tpu.memory_space<vmem>> -> memref<1x128xi32, #tpu.memory_space<vmem>>
      %dma_start3A_94 = tpu.memref_squeeze %dma_start3A_93 : memref<1x128xi32, #tpu.memory_space<vmem>> -> memref<128xi32, #tpu.memory_space<vmem>>
      %dma_start3A_95 = arith.constant 0 : i32
      %dma_start3A_96 = arith.constant 0 : i32
      %dma_start3A_97 = tpu.memref_slice %arg10[%dma_start3A_95, %dma_start3A_96] : memref<10240x64xf32, #tpu.memory_space<vmem_shared>> -> memref<10240x64xf32, #tpu.memory_space<vmem_shared>>
      tpu.enqueue_indirect_dma source(%dma_start3A_91 : memref<128x64xf32, #tpu.memory_space<vmem>>) target(%dma_start3A_97 : memref<10240x64xf32, #tpu.memory_space<vmem_shared>>) offsets(%dma_start3A_94 : memref<128xi32, #tpu.memory_space<vmem>>) semaphore(%run_scoped3A_87 : memref<!tpu.dma_semaphore, #tpu.memory_space<semaphore_mem>>) {add = true}
      %dma_wait3A_98 = arith.constant 0 : i32
      %dma_wait3A_99 = arith.constant 0 : i32
      %dma_wait3A_100 = tpu.memref_slice %arg9[%run_scoped3A, %dma_wait3A_98, %dma_wait3A_99] : memref<2x128x64xf32, #tpu.memory_space<vmem>> -> memref<1x128x64xf32, #tpu.memory_space<vmem>>
      %dma_wait3A_101 = tpu.memref_squeeze %dma_wait3A_100 : memref<1x128x64xf32, #tpu.memory_space<vmem>> -> memref<128x64xf32, #tpu.memory_space<vmem>>
      %dma_wait3A_102 = arith.constant 0 : i32
      %dma_wait3A_103 = tpu.memref_slice %arg8[%run_scoped3A_81, %dma_wait3A_102] : memref<79x128xi32, #tpu.memory_space<vmem>> -> memref<1x128xi32, #tpu.memory_space<vmem>>
      %dma_wait3A_104 = tpu.memref_squeeze %dma_wait3A_103 : memref<1x128xi32, #tpu.memory_space<vmem>> -> memref<128xi32, #tpu.memory_space<vmem>>
      %dma_wait3A_105 = arith.constant 0 : i32
      %dma_wait3A_106 = arith.constant 0 : i32
      %dma_wait3A_107 = tpu.memref_slice %arg10[%dma_wait3A_105, %dma_wait3A_106] : memref<10240x64xf32, #tpu.memory_space<vmem_shared>> -> memref<10240x64xf32, #tpu.memory_space<vmem_shared>>
      tpu.wait_indirect_dma semaphore(%run_scoped3A_87 : memref<!tpu.dma_semaphore, #tpu.memory_space<semaphore_mem>>) src(%dma_wait3A_101 : memref<128x64xf32, #tpu.memory_space<vmem>>) dst(%dma_wait3A_107 : memref<10240x64xf32, #tpu.memory_space<vmem_shared>>)
      tpu.yield
    }) : () -> ()
    %barrier3A_82 = arith.constant 0 : index
    tpu.barrier barrier_id(%barrier3A_82)
    %mul3A_83 = arith.constant 625 : i32
    %mul3A_84 = arith.muli %arg1, %mul3A_83 : i32
    %mul3A_85 = arith.constant 625 : i32
    %mul3A_86 = arith.muli %arg1, %mul3A_85 : i32
    "tpu.region"() ({
      %run_scoped3A_87 = tpu.sem_alloc : memref<!tpu.dma_semaphore, #tpu.memory_space<semaphore_mem>>
      %dma_start3A_88 = arith.constant 0 : i32
      %dma_start3A_89 = tpu.memref_slice %arg6[%arg0, %mul3A_86, %dma_start3A_88] : memref<2x10000x64xf32, #tpu.memory_space<hbm>> -> memref<1x625x64xf32, #tpu.memory_space<hbm>>
      %dma_start3A_90 = tpu.memref_squeeze %dma_start3A_89 : memref<1x625x64xf32, #tpu.memory_space<hbm>> -> memref<625x64xf32, #tpu.memory_space<hbm>>
      %dma_start3A_91 = arith.constant 0 : i32
      %dma_start3A_92 = tpu.memref_slice %arg10[%mul3A_84, %dma_start3A_91] : memref<10240x64xf32, #tpu.memory_space<vmem_shared>> -> memref<625x64xf32, #tpu.memory_space<vmem_shared>>
      tpu.enqueue_dma source(%dma_start3A_92 : memref<625x64xf32, #tpu.memory_space<vmem_shared>>) target(%dma_start3A_90 : memref<625x64xf32, #tpu.memory_space<hbm>>) target_semaphore(%run_scoped3A_87 : memref<!tpu.dma_semaphore, #tpu.memory_space<semaphore_mem>>)
      %dma_wait3A_93 = arith.constant 0 : i32
      %dma_wait3A_94 = tpu.memref_slice %arg6[%arg0, %mul3A_86, %dma_wait3A_93] : memref<2x10000x64xf32, #tpu.memory_space<hbm>> -> memref<1x625x64xf32, #tpu.memory_space<hbm>>
      %dma_wait3A_95 = tpu.memref_squeeze %dma_wait3A_94 : memref<1x625x64xf32, #tpu.memory_space<hbm>> -> memref<625x64xf32, #tpu.memory_space<hbm>>
      %dma_wait3A_96 = arith.constant 0 : i32
      %dma_wait3A_97 = tpu.memref_slice %arg10[%mul3A_84, %dma_wait3A_96] : memref<10240x64xf32, #tpu.memory_space<vmem_shared>> -> memref<625x64xf32, #tpu.memory_space<vmem_shared>>
      tpu.wait_dma2 semaphore(%run_scoped3A_87 : memref<!tpu.dma_semaphore, #tpu.memory_space<semaphore_mem>>) src(%dma_wait3A_97 : memref<625x64xf32, #tpu.memory_space<vmem_shared>>) dst(%dma_wait3A_95 : memref<625x64xf32, #tpu.memory_space<hbm>>)
      tpu.yield
    }) : () -> ()
    return
  }
}

#map = affine_map<(d0, d1) -> (0, 0)>
#map1 = affine_map<(d0, d1) -> (0, 0, 0, 0)>
#map2 = affine_map<(d0, d1) -> (0, 0, 0)>
module attributes {stable_mosaic.version = 14 : i64} {
  func.func @_agg_kernel(%arg0: i32, %arg1: i32, %arg2: memref<10000x64xf32, #tpu.memory_space<hbm>>, %arg3: memref<2x16x79x128xi32, #tpu.memory_space<hbm>>, %arg4: memref<2x16x79x128xi32, #tpu.memory_space<hbm>>, %arg5: memref<625x64xf32, #tpu.memory_space<hbm>>, %arg6: memref<2x10000x64xf32, #tpu.memory_space<hbm>>, %arg7: memref<79x128xi32, #tpu.memory_space<vmem>>, %arg8: memref<79x128xi32, #tpu.memory_space<vmem>>, %arg9: memref<2x128x64xf32, #tpu.memory_space<vmem>>, %arg10: memref<10240x64xf32, #tpu.memory_space<vmem_shared>>, %arg11: memref<10000x64xf32, #tpu.memory_space<vmem_shared>>, %arg12: memref<!tpu.dma_semaphore, #tpu.memory_space<semaphore_mem>>, %arg13: memref<!tpu.dma_semaphore, #tpu.memory_space<semaphore_mem>>, %arg14: memref<!tpu.dma_semaphore, #tpu.memory_space<semaphore_mem>>, %arg15: memref<!tpu.dma_semaphore, #tpu.memory_space<semaphore_mem>>) attributes {dimension_semantics = [#tpu.dimension_semantics<core_parallel>, #tpu.dimension_semantics<subcore_parallel>], iteration_bounds = array<i64: 2, 16>, scalar_prefetch = 0 : i64, scratch_operands = 9 : i64, tpu.core_type = #tpu.core_type<sc_vector_subcore>, window_params = [{transform_indices = #map}, {transform_indices = #map1}, {transform_indices = #map1}, {transform_indices = #map}, {transform_indices = #map2}]} {
    %dma_start3A = arith.constant 0 : i32
    %dma_start3A_0 = arith.constant 0 : i32
    %dma_start3A_1 = tpu.memref_slice %arg3[%arg0, %arg1, %dma_start3A, %dma_start3A_0] : memref<2x16x79x128xi32, #tpu.memory_space<hbm>> -> memref<1x1x79x128xi32, #tpu.memory_space<hbm>>
    %dma_start3A_2 = tpu.memref_squeeze %dma_start3A_1 : memref<1x1x79x128xi32, #tpu.memory_space<hbm>> -> memref<79x128xi32, #tpu.memory_space<hbm>>
    %dma_start3A_3 = arith.constant 0 : i32
    %dma_start3A_4 = arith.constant 0 : i32
    %dma_start3A_5 = tpu.memref_slice %arg3[%arg0, %arg1, %dma_start3A_3, %dma_start3A_4] : memref<2x16x79x128xi32, #tpu.memory_space<hbm>> -> memref<1x1x79x128xi32, #tpu.memory_space<hbm>>
    %dma_start3A_6 = tpu.memref_squeeze %dma_start3A_5 : memref<1x1x79x128xi32, #tpu.memory_space<hbm>> -> memref<79x128xi32, #tpu.memory_space<hbm>>
    tpu.enqueue_dma source(%dma_start3A_6 : memref<79x128xi32, #tpu.memory_space<hbm>>) target(%arg7 : memref<79x128xi32, #tpu.memory_space<vmem>>) target_semaphore(%arg12 : memref<!tpu.dma_semaphore, #tpu.memory_space<semaphore_mem>>)
    %dma_start3A_7 = arith.constant 0 : i32
    %dma_start3A_8 = arith.constant 0 : i32
    %dma_start3A_9 = tpu.memref_slice %arg4[%arg0, %arg1, %dma_start3A_7, %dma_start3A_8] : memref<2x16x79x128xi32, #tpu.memory_space<hbm>> -> memref<1x1x79x128xi32, #tpu.memory_space<hbm>>
    %dma_start3A_10 = tpu.memref_squeeze %dma_start3A_9 : memref<1x1x79x128xi32, #tpu.memory_space<hbm>> -> memref<79x128xi32, #tpu.memory_space<hbm>>
    %dma_start3A_11 = arith.constant 0 : i32
    %dma_start3A_12 = arith.constant 0 : i32
    %dma_start3A_13 = tpu.memref_slice %arg4[%arg0, %arg1, %dma_start3A_11, %dma_start3A_12] : memref<2x16x79x128xi32, #tpu.memory_space<hbm>> -> memref<1x1x79x128xi32, #tpu.memory_space<hbm>>
    %dma_start3A_14 = tpu.memref_squeeze %dma_start3A_13 : memref<1x1x79x128xi32, #tpu.memory_space<hbm>> -> memref<79x128xi32, #tpu.memory_space<hbm>>
    tpu.enqueue_dma source(%dma_start3A_14 : memref<79x128xi32, #tpu.memory_space<hbm>>) target(%arg8 : memref<79x128xi32, #tpu.memory_space<vmem>>) target_semaphore(%arg13 : memref<!tpu.dma_semaphore, #tpu.memory_space<semaphore_mem>>)
    %mul3A = arith.constant 625 : i32
    %mul3A_15 = arith.muli %arg1, %mul3A : i32
    %dma_start3A_16 = arith.constant 0 : i32
    %dma_start3A_17 = tpu.memref_slice %arg10[%mul3A_15, %dma_start3A_16] : memref<10240x64xf32, #tpu.memory_space<vmem_shared>> -> memref<625x64xf32, #tpu.memory_space<vmem_shared>>
    tpu.enqueue_dma source(%arg5 : memref<625x64xf32, #tpu.memory_space<hbm>>) target(%dma_start3A_17 : memref<625x64xf32, #tpu.memory_space<vmem_shared>>) target_semaphore(%arg14 : memref<!tpu.dma_semaphore, #tpu.memory_space<semaphore_mem>>)
    %mul3A_18 = arith.constant 625 : i32
    %mul3A_19 = arith.muli %arg1, %mul3A_18 : i32
    %mul3A_20 = arith.constant 625 : i32
    %mul3A_21 = arith.muli %arg1, %mul3A_20 : i32
    %dma_start3A_22 = arith.constant 0 : i32
    %dma_start3A_23 = tpu.memref_slice %arg11[%mul3A_21, %dma_start3A_22] : memref<10000x64xf32, #tpu.memory_space<vmem_shared>> -> memref<625x64xf32, #tpu.memory_space<vmem_shared>>
    %dma_start3A_24 = arith.constant 0 : i32
    %dma_start3A_25 = tpu.memref_slice %arg2[%mul3A_19, %dma_start3A_24] : memref<10000x64xf32, #tpu.memory_space<hbm>> -> memref<625x64xf32, #tpu.memory_space<hbm>>
    tpu.enqueue_dma source(%dma_start3A_25 : memref<625x64xf32, #tpu.memory_space<hbm>>) target(%dma_start3A_23 : memref<625x64xf32, #tpu.memory_space<vmem_shared>>) target_semaphore(%arg15 : memref<!tpu.dma_semaphore, #tpu.memory_space<semaphore_mem>>)
    %dma_wait3A = arith.constant 0 : i32
    %dma_wait3A_26 = arith.constant 0 : i32
    %dma_wait3A_27 = tpu.memref_slice %arg3[%arg0, %arg1, %dma_wait3A, %dma_wait3A_26] : memref<2x16x79x128xi32, #tpu.memory_space<hbm>> -> memref<1x1x79x128xi32, #tpu.memory_space<hbm>>
    %dma_wait3A_28 = tpu.memref_squeeze %dma_wait3A_27 : memref<1x1x79x128xi32, #tpu.memory_space<hbm>> -> memref<79x128xi32, #tpu.memory_space<hbm>>
    %dma_wait3A_29 = arith.constant 0 : i32
    %dma_wait3A_30 = arith.constant 0 : i32
    %dma_wait3A_31 = tpu.memref_slice %arg3[%arg0, %arg1, %dma_wait3A_29, %dma_wait3A_30] : memref<2x16x79x128xi32, #tpu.memory_space<hbm>> -> memref<1x1x79x128xi32, #tpu.memory_space<hbm>>
    %dma_wait3A_32 = tpu.memref_squeeze %dma_wait3A_31 : memref<1x1x79x128xi32, #tpu.memory_space<hbm>> -> memref<79x128xi32, #tpu.memory_space<hbm>>
    tpu.wait_dma2 semaphore(%arg12 : memref<!tpu.dma_semaphore, #tpu.memory_space<semaphore_mem>>) src(%dma_wait3A_32 : memref<79x128xi32, #tpu.memory_space<hbm>>) dst(%arg7 : memref<79x128xi32, #tpu.memory_space<vmem>>)
    %dma_wait3A_33 = arith.constant 0 : i32
    %dma_wait3A_34 = arith.constant 0 : i32
    %dma_wait3A_35 = tpu.memref_slice %arg4[%arg0, %arg1, %dma_wait3A_33, %dma_wait3A_34] : memref<2x16x79x128xi32, #tpu.memory_space<hbm>> -> memref<1x1x79x128xi32, #tpu.memory_space<hbm>>
    %dma_wait3A_36 = tpu.memref_squeeze %dma_wait3A_35 : memref<1x1x79x128xi32, #tpu.memory_space<hbm>> -> memref<79x128xi32, #tpu.memory_space<hbm>>
    %dma_wait3A_37 = arith.constant 0 : i32
    %dma_wait3A_38 = arith.constant 0 : i32
    %dma_wait3A_39 = tpu.memref_slice %arg4[%arg0, %arg1, %dma_wait3A_37, %dma_wait3A_38] : memref<2x16x79x128xi32, #tpu.memory_space<hbm>> -> memref<1x1x79x128xi32, #tpu.memory_space<hbm>>
    %dma_wait3A_40 = tpu.memref_squeeze %dma_wait3A_39 : memref<1x1x79x128xi32, #tpu.memory_space<hbm>> -> memref<79x128xi32, #tpu.memory_space<hbm>>
    tpu.wait_dma2 semaphore(%arg13 : memref<!tpu.dma_semaphore, #tpu.memory_space<semaphore_mem>>) src(%dma_wait3A_40 : memref<79x128xi32, #tpu.memory_space<hbm>>) dst(%arg8 : memref<79x128xi32, #tpu.memory_space<vmem>>)
    %mul3A_41 = arith.constant 625 : i32
    %mul3A_42 = arith.muli %arg1, %mul3A_41 : i32
    %dma_wait3A_43 = arith.constant 0 : i32
    %dma_wait3A_44 = tpu.memref_slice %arg10[%mul3A_42, %dma_wait3A_43] : memref<10240x64xf32, #tpu.memory_space<vmem_shared>> -> memref<625x64xf32, #tpu.memory_space<vmem_shared>>
    tpu.wait_dma2 semaphore(%arg14 : memref<!tpu.dma_semaphore, #tpu.memory_space<semaphore_mem>>) src(%arg5 : memref<625x64xf32, #tpu.memory_space<hbm>>) dst(%dma_wait3A_44 : memref<625x64xf32, #tpu.memory_space<vmem_shared>>)
    %mul3A_45 = arith.constant 625 : i32
    %mul3A_46 = arith.muli %arg1, %mul3A_45 : i32
    %mul3A_47 = arith.constant 625 : i32
    %mul3A_48 = arith.muli %arg1, %mul3A_47 : i32
    %dma_wait3A_49 = arith.constant 0 : i32
    %dma_wait3A_50 = tpu.memref_slice %arg11[%mul3A_48, %dma_wait3A_49] : memref<10000x64xf32, #tpu.memory_space<vmem_shared>> -> memref<625x64xf32, #tpu.memory_space<vmem_shared>>
    %dma_wait3A_51 = arith.constant 0 : i32
    %dma_wait3A_52 = tpu.memref_slice %arg2[%mul3A_46, %dma_wait3A_51] : memref<10000x64xf32, #tpu.memory_space<hbm>> -> memref<625x64xf32, #tpu.memory_space<hbm>>
    tpu.wait_dma2 semaphore(%arg15 : memref<!tpu.dma_semaphore, #tpu.memory_space<semaphore_mem>>) src(%dma_wait3A_52 : memref<625x64xf32, #tpu.memory_space<hbm>>) dst(%dma_wait3A_50 : memref<625x64xf32, #tpu.memory_space<vmem_shared>>)
    %barrier3A = arith.constant 0 : index
    tpu.barrier barrier_id(%barrier3A)
    %dma_start3A_53 = arith.constant 0 : i32
    %dma_start3A_54 = arith.constant 0 : i32
    %dma_start3A_55 = arith.constant 0 : i32
    %dma_start3A_56 = arith.constant 0 : i32
    %dma_start3A_57 = tpu.memref_slice %arg9[%dma_start3A_54, %dma_start3A_55, %dma_start3A_56] : memref<2x128x64xf32, #tpu.memory_space<vmem>> -> memref<1x128x64xf32, #tpu.memory_space<vmem>>
    %dma_start3A_58 = tpu.memref_squeeze %dma_start3A_57 : memref<1x128x64xf32, #tpu.memory_space<vmem>> -> memref<128x64xf32, #tpu.memory_space<vmem>>
    %dma_start3A_59 = arith.constant 0 : i32
    %dma_start3A_60 = tpu.memref_slice %arg7[%dma_start3A_53, %dma_start3A_59] : memref<79x128xi32, #tpu.memory_space<vmem>> -> memref<1x128xi32, #tpu.memory_space<vmem>>
    %dma_start3A_61 = tpu.memref_squeeze %dma_start3A_60 : memref<1x128xi32, #tpu.memory_space<vmem>> -> memref<128xi32, #tpu.memory_space<vmem>>
    %dma_start3A_62 = arith.constant 0 : i32
    %dma_start3A_63 = arith.constant 0 : i32
    %dma_start3A_64 = tpu.memref_slice %arg11[%dma_start3A_62, %dma_start3A_63] : memref<10000x64xf32, #tpu.memory_space<vmem_shared>> -> memref<10000x64xf32, #tpu.memory_space<vmem_shared>>
    tpu.enqueue_indirect_dma source(%dma_start3A_64 : memref<10000x64xf32, #tpu.memory_space<vmem_shared>>) target(%dma_start3A_58 : memref<128x64xf32, #tpu.memory_space<vmem>>) offsets(%dma_start3A_61 : memref<128xi32, #tpu.memory_space<vmem>>) semaphore(%arg12 : memref<!tpu.dma_semaphore, #tpu.memory_space<semaphore_mem>>)
    %scan3A = arith.constant 0 : i32
    %scan3A_65 = arith.constant 39 : i32
    %scan3A_66 = arith.addi %scan3A, %scan3A_65 : i32
    %scan3A_67 = arith.constant 1 : i32
    scf.for %scan3A_87 = %scan3A to %scan3A_66 step %scan3A_67  : i32 {
      %mul3A_88 = arith.constant 2 : i32
      %mul3A_89 = arith.muli %scan3A_87, %mul3A_88 : i32
      %add3A = arith.constant 0 : i32
      %add3A_90 = arith.addi %add3A, %mul3A_89 : i32
      %dma_wait3A_91 = arith.constant 0 : i32
      %dma_wait3A_92 = arith.constant 0 : i32
      %dma_wait3A_93 = arith.constant 0 : i32
      %dma_wait3A_94 = tpu.memref_slice %arg9[%dma_wait3A_91, %dma_wait3A_92, %dma_wait3A_93] : memref<2x128x64xf32, #tpu.memory_space<vmem>> -> memref<1x128x64xf32, #tpu.memory_space<vmem>>
      %dma_wait3A_95 = tpu.memref_squeeze %dma_wait3A_94 : memref<1x128x64xf32, #tpu.memory_space<vmem>> -> memref<128x64xf32, #tpu.memory_space<vmem>>
      %dma_wait3A_96 = arith.constant 0 : i32
      %dma_wait3A_97 = tpu.memref_slice %arg7[%add3A_90, %dma_wait3A_96] : memref<79x128xi32, #tpu.memory_space<vmem>> -> memref<1x128xi32, #tpu.memory_space<vmem>>
      %dma_wait3A_98 = tpu.memref_squeeze %dma_wait3A_97 : memref<1x128xi32, #tpu.memory_space<vmem>> -> memref<128xi32, #tpu.memory_space<vmem>>
      %dma_wait3A_99 = arith.constant 0 : i32
      %dma_wait3A_100 = arith.constant 0 : i32
      %dma_wait3A_101 = tpu.memref_slice %arg11[%dma_wait3A_99, %dma_wait3A_100] : memref<10000x64xf32, #tpu.memory_space<vmem_shared>> -> memref<10000x64xf32, #tpu.memory_space<vmem_shared>>
      tpu.wait_indirect_dma semaphore(%arg12 : memref<!tpu.dma_semaphore, #tpu.memory_space<semaphore_mem>>) src(%dma_wait3A_101 : memref<10000x64xf32, #tpu.memory_space<vmem_shared>>) dst(%dma_wait3A_95 : memref<128x64xf32, #tpu.memory_space<vmem>>)
      %add3A_102 = arith.constant 1 : i32
      %add3A_103 = arith.addi %add3A_90, %add3A_102 : i32
      %dma_start3A_104 = arith.constant 1 : i32
      %dma_start3A_105 = arith.constant 0 : i32
      %dma_start3A_106 = arith.constant 0 : i32
      %dma_start3A_107 = tpu.memref_slice %arg9[%dma_start3A_104, %dma_start3A_105, %dma_start3A_106] : memref<2x128x64xf32, #tpu.memory_space<vmem>> -> memref<1x128x64xf32, #tpu.memory_space<vmem>>
      %dma_start3A_108 = tpu.memref_squeeze %dma_start3A_107 : memref<1x128x64xf32, #tpu.memory_space<vmem>> -> memref<128x64xf32, #tpu.memory_space<vmem>>
      %dma_start3A_109 = arith.constant 0 : i32
      %dma_start3A_110 = tpu.memref_slice %arg7[%add3A_103, %dma_start3A_109] : memref<79x128xi32, #tpu.memory_space<vmem>> -> memref<1x128xi32, #tpu.memory_space<vmem>>
      %dma_start3A_111 = tpu.memref_squeeze %dma_start3A_110 : memref<1x128xi32, #tpu.memory_space<vmem>> -> memref<128xi32, #tpu.memory_space<vmem>>
      %dma_start3A_112 = arith.constant 0 : i32
      %dma_start3A_113 = arith.constant 0 : i32
      %dma_start3A_114 = tpu.memref_slice %arg11[%dma_start3A_112, %dma_start3A_113] : memref<10000x64xf32, #tpu.memory_space<vmem_shared>> -> memref<10000x64xf32, #tpu.memory_space<vmem_shared>>
      tpu.enqueue_indirect_dma source(%dma_start3A_114 : memref<10000x64xf32, #tpu.memory_space<vmem_shared>>) target(%dma_start3A_108 : memref<128x64xf32, #tpu.memory_space<vmem>>) offsets(%dma_start3A_111 : memref<128xi32, #tpu.memory_space<vmem>>) semaphore(%arg13 : memref<!tpu.dma_semaphore, #tpu.memory_space<semaphore_mem>>)
      %run_scoped3A_115 = arith.constant 0 : i32
      "tpu.region"() ({
        %run_scoped3A_145 = tpu.sem_alloc : memref<!tpu.dma_semaphore, #tpu.memory_space<semaphore_mem>>
        %dma_start3A_146 = arith.constant 0 : i32
        %dma_start3A_147 = arith.constant 0 : i32
        %dma_start3A_148 = tpu.memref_slice %arg9[%run_scoped3A_115, %dma_start3A_146, %dma_start3A_147] : memref<2x128x64xf32, #tpu.memory_space<vmem>> -> memref<1x128x64xf32, #tpu.memory_space<vmem>>
        %dma_start3A_149 = tpu.memref_squeeze %dma_start3A_148 : memref<1x128x64xf32, #tpu.memory_space<vmem>> -> memref<128x64xf32, #tpu.memory_space<vmem>>
        %dma_start3A_150 = arith.constant 0 : i32
        %dma_start3A_151 = tpu.memref_slice %arg8[%add3A_90, %dma_start3A_150] : memref<79x128xi32, #tpu.memory_space<vmem>> -> memref<1x128xi32, #tpu.memory_space<vmem>>
        %dma_start3A_152 = tpu.memref_squeeze %dma_start3A_151 : memref<1x128xi32, #tpu.memory_space<vmem>> -> memref<128xi32, #tpu.memory_space<vmem>>
        %dma_start3A_153 = arith.constant 0 : i32
        %dma_start3A_154 = arith.constant 0 : i32
        %dma_start3A_155 = tpu.memref_slice %arg10[%dma_start3A_153, %dma_start3A_154] : memref<10240x64xf32, #tpu.memory_space<vmem_shared>> -> memref<10240x64xf32, #tpu.memory_space<vmem_shared>>
        tpu.enqueue_indirect_dma source(%dma_start3A_149 : memref<128x64xf32, #tpu.memory_space<vmem>>) target(%dma_start3A_155 : memref<10240x64xf32, #tpu.memory_space<vmem_shared>>) offsets(%dma_start3A_152 : memref<128xi32, #tpu.memory_space<vmem>>) semaphore(%run_scoped3A_145 : memref<!tpu.dma_semaphore, #tpu.memory_space<semaphore_mem>>) {add = true}
        %dma_wait3A_156 = arith.constant 0 : i32
        %dma_wait3A_157 = arith.constant 0 : i32
        %dma_wait3A_158 = tpu.memref_slice %arg9[%run_scoped3A_115, %dma_wait3A_156, %dma_wait3A_157] : memref<2x128x64xf32, #tpu.memory_space<vmem>> -> memref<1x128x64xf32, #tpu.memory_space<vmem>>
        %dma_wait3A_159 = tpu.memref_squeeze %dma_wait3A_158 : memref<1x128x64xf32, #tpu.memory_space<vmem>> -> memref<128x64xf32, #tpu.memory_space<vmem>>
        %dma_wait3A_160 = arith.constant 0 : i32
        %dma_wait3A_161 = tpu.memref_slice %arg8[%add3A_90, %dma_wait3A_160] : memref<79x128xi32, #tpu.memory_space<vmem>> -> memref<1x128xi32, #tpu.memory_space<vmem>>
        %dma_wait3A_162 = tpu.memref_squeeze %dma_wait3A_161 : memref<1x128xi32, #tpu.memory_space<vmem>> -> memref<128xi32, #tpu.memory_space<vmem>>
        %dma_wait3A_163 = arith.constant 0 : i32
        %dma_wait3A_164 = arith.constant 0 : i32
        %dma_wait3A_165 = tpu.memref_slice %arg10[%dma_wait3A_163, %dma_wait3A_164] : memref<10240x64xf32, #tpu.memory_space<vmem_shared>> -> memref<10240x64xf32, #tpu.memory_space<vmem_shared>>
        tpu.wait_indirect_dma semaphore(%run_scoped3A_145 : memref<!tpu.dma_semaphore, #tpu.memory_space<semaphore_mem>>) src(%dma_wait3A_159 : memref<128x64xf32, #tpu.memory_space<vmem>>) dst(%dma_wait3A_165 : memref<10240x64xf32, #tpu.memory_space<vmem_shared>>)
        tpu.yield
      }) : () -> ()
      %add3A_116 = arith.constant 1 : i32
      %add3A_117 = arith.addi %add3A_90, %add3A_116 : i32
      %dma_wait3A_118 = arith.constant 1 : i32
      %dma_wait3A_119 = arith.constant 0 : i32
      %dma_wait3A_120 = arith.constant 0 : i32
      %dma_wait3A_121 = tpu.memref_slice %arg9[%dma_wait3A_118, %dma_wait3A_119, %dma_wait3A_120] : memref<2x128x64xf32, #tpu.memory_space<vmem>> -> memref<1x128x64xf32, #tpu.memory_space<vmem>>
      %dma_wait3A_122 = tpu.memref_squeeze %dma_wait3A_121 : memref<1x128x64xf32, #tpu.memory_space<vmem>> -> memref<128x64xf32, #tpu.memory_space<vmem>>
      %dma_wait3A_123 = arith.constant 0 : i32
      %dma_wait3A_124 = tpu.memref_slice %arg7[%add3A_117, %dma_wait3A_123] : memref<79x128xi32, #tpu.memory_space<vmem>> -> memref<1x128xi32, #tpu.memory_space<vmem>>
      %dma_wait3A_125 = tpu.memref_squeeze %dma_wait3A_124 : memref<1x128xi32, #tpu.memory_space<vmem>> -> memref<128xi32, #tpu.memory_space<vmem>>
      %dma_wait3A_126 = arith.constant 0 : i32
      %dma_wait3A_127 = arith.constant 0 : i32
      %dma_wait3A_128 = tpu.memref_slice %arg11[%dma_wait3A_126, %dma_wait3A_127] : memref<10000x64xf32, #tpu.memory_space<vmem_shared>> -> memref<10000x64xf32, #tpu.memory_space<vmem_shared>>
      tpu.wait_indirect_dma semaphore(%arg13 : memref<!tpu.dma_semaphore, #tpu.memory_space<semaphore_mem>>) src(%dma_wait3A_128 : memref<10000x64xf32, #tpu.memory_space<vmem_shared>>) dst(%dma_wait3A_122 : memref<128x64xf32, #tpu.memory_space<vmem>>)
      %add3A_129 = arith.constant 2 : i32
      %add3A_130 = arith.addi %add3A_90, %add3A_129 : i32
      %dma_start3A_131 = arith.constant 0 : i32
      %dma_start3A_132 = arith.constant 0 : i32
      %dma_start3A_133 = arith.constant 0 : i32
      %dma_start3A_134 = tpu.memref_slice %arg9[%dma_start3A_131, %dma_start3A_132, %dma_start3A_133] : memref<2x128x64xf32, #tpu.memory_space<vmem>> -> memref<1x128x64xf32, #tpu.memory_space<vmem>>
      %dma_start3A_135 = tpu.memref_squeeze %dma_start3A_134 : memref<1x128x64xf32, #tpu.memory_space<vmem>> -> memref<128x64xf32, #tpu.memory_space<vmem>>
      %dma_start3A_136 = arith.constant 0 : i32
      %dma_start3A_137 = tpu.memref_slice %arg7[%add3A_130, %dma_start3A_136] : memref<79x128xi32, #tpu.memory_space<vmem>> -> memref<1x128xi32, #tpu.memory_space<vmem>>
      %dma_start3A_138 = tpu.memref_squeeze %dma_start3A_137 : memref<1x128xi32, #tpu.memory_space<vmem>> -> memref<128xi32, #tpu.memory_space<vmem>>
      %dma_start3A_139 = arith.constant 0 : i32
      %dma_start3A_140 = arith.constant 0 : i32
      %dma_start3A_141 = tpu.memref_slice %arg11[%dma_start3A_139, %dma_start3A_140] : memref<10000x64xf32, #tpu.memory_space<vmem_shared>> -> memref<10000x64xf32, #tpu.memory_space<vmem_shared>>
      tpu.enqueue_indirect_dma source(%dma_start3A_141 : memref<10000x64xf32, #tpu.memory_space<vmem_shared>>) target(%dma_start3A_135 : memref<128x64xf32, #tpu.memory_space<vmem>>) offsets(%dma_start3A_138 : memref<128xi32, #tpu.memory_space<vmem>>) semaphore(%arg12 : memref<!tpu.dma_semaphore, #tpu.memory_space<semaphore_mem>>)
      %add3A_142 = arith.constant 1 : i32
      %add3A_143 = arith.addi %add3A_90, %add3A_142 : i32
      %run_scoped3A_144 = arith.constant 1 : i32
      "tpu.region"() ({
        %run_scoped3A_145 = tpu.sem_alloc : memref<!tpu.dma_semaphore, #tpu.memory_space<semaphore_mem>>
        %dma_start3A_146 = arith.constant 0 : i32
        %dma_start3A_147 = arith.constant 0 : i32
        %dma_start3A_148 = tpu.memref_slice %arg9[%run_scoped3A_144, %dma_start3A_146, %dma_start3A_147] : memref<2x128x64xf32, #tpu.memory_space<vmem>> -> memref<1x128x64xf32, #tpu.memory_space<vmem>>
        %dma_start3A_149 = tpu.memref_squeeze %dma_start3A_148 : memref<1x128x64xf32, #tpu.memory_space<vmem>> -> memref<128x64xf32, #tpu.memory_space<vmem>>
        %dma_start3A_150 = arith.constant 0 : i32
        %dma_start3A_151 = tpu.memref_slice %arg8[%add3A_143, %dma_start3A_150] : memref<79x128xi32, #tpu.memory_space<vmem>> -> memref<1x128xi32, #tpu.memory_space<vmem>>
        %dma_start3A_152 = tpu.memref_squeeze %dma_start3A_151 : memref<1x128xi32, #tpu.memory_space<vmem>> -> memref<128xi32, #tpu.memory_space<vmem>>
        %dma_start3A_153 = arith.constant 0 : i32
        %dma_start3A_154 = arith.constant 0 : i32
        %dma_start3A_155 = tpu.memref_slice %arg10[%dma_start3A_153, %dma_start3A_154] : memref<10240x64xf32, #tpu.memory_space<vmem_shared>> -> memref<10240x64xf32, #tpu.memory_space<vmem_shared>>
        tpu.enqueue_indirect_dma source(%dma_start3A_149 : memref<128x64xf32, #tpu.memory_space<vmem>>) target(%dma_start3A_155 : memref<10240x64xf32, #tpu.memory_space<vmem_shared>>) offsets(%dma_start3A_152 : memref<128xi32, #tpu.memory_space<vmem>>) semaphore(%run_scoped3A_145 : memref<!tpu.dma_semaphore, #tpu.memory_space<semaphore_mem>>) {add = true}
        %dma_wait3A_156 = arith.constant 0 : i32
        %dma_wait3A_157 = arith.constant 0 : i32
        %dma_wait3A_158 = tpu.memref_slice %arg9[%run_scoped3A_144, %dma_wait3A_156, %dma_wait3A_157] : memref<2x128x64xf32, #tpu.memory_space<vmem>> -> memref<1x128x64xf32, #tpu.memory_space<vmem>>
        %dma_wait3A_159 = tpu.memref_squeeze %dma_wait3A_158 : memref<1x128x64xf32, #tpu.memory_space<vmem>> -> memref<128x64xf32, #tpu.memory_space<vmem>>
        %dma_wait3A_160 = arith.constant 0 : i32
        %dma_wait3A_161 = tpu.memref_slice %arg8[%add3A_143, %dma_wait3A_160] : memref<79x128xi32, #tpu.memory_space<vmem>> -> memref<1x128xi32, #tpu.memory_space<vmem>>
        %dma_wait3A_162 = tpu.memref_squeeze %dma_wait3A_161 : memref<1x128xi32, #tpu.memory_space<vmem>> -> memref<128xi32, #tpu.memory_space<vmem>>
        %dma_wait3A_163 = arith.constant 0 : i32
        %dma_wait3A_164 = arith.constant 0 : i32
        %dma_wait3A_165 = tpu.memref_slice %arg10[%dma_wait3A_163, %dma_wait3A_164] : memref<10240x64xf32, #tpu.memory_space<vmem_shared>> -> memref<10240x64xf32, #tpu.memory_space<vmem_shared>>
        tpu.wait_indirect_dma semaphore(%run_scoped3A_145 : memref<!tpu.dma_semaphore, #tpu.memory_space<semaphore_mem>>) src(%dma_wait3A_159 : memref<128x64xf32, #tpu.memory_space<vmem>>) dst(%dma_wait3A_165 : memref<10240x64xf32, #tpu.memory_space<vmem_shared>>)
        tpu.yield
      }) : () -> ()
    }
    %scan3A_68 = arith.constant 39 : i32
    %dma_wait3A_69 = arith.constant 78 : i32
    %dma_wait3A_70 = arith.constant 0 : i32
    %dma_wait3A_71 = arith.constant 0 : i32
    %dma_wait3A_72 = arith.constant 0 : i32
    %dma_wait3A_73 = tpu.memref_slice %arg9[%dma_wait3A_70, %dma_wait3A_71, %dma_wait3A_72] : memref<2x128x64xf32, #tpu.memory_space<vmem>> -> memref<1x128x64xf32, #tpu.memory_space<vmem>>
    %dma_wait3A_74 = tpu.memref_squeeze %dma_wait3A_73 : memref<1x128x64xf32, #tpu.memory_space<vmem>> -> memref<128x64xf32, #tpu.memory_space<vmem>>
    %dma_wait3A_75 = arith.constant 0 : i32
    %dma_wait3A_76 = tpu.memref_slice %arg7[%dma_wait3A_69, %dma_wait3A_75] : memref<79x128xi32, #tpu.memory_space<vmem>> -> memref<1x128xi32, #tpu.memory_space<vmem>>
    %dma_wait3A_77 = tpu.memref_squeeze %dma_wait3A_76 : memref<1x128xi32, #tpu.memory_space<vmem>> -> memref<128xi32, #tpu.memory_space<vmem>>
    %dma_wait3A_78 = arith.constant 0 : i32
    %dma_wait3A_79 = arith.constant 0 : i32
    %dma_wait3A_80 = tpu.memref_slice %arg11[%dma_wait3A_78, %dma_wait3A_79] : memref<10000x64xf32, #tpu.memory_space<vmem_shared>> -> memref<10000x64xf32, #tpu.memory_space<vmem_shared>>
    tpu.wait_indirect_dma semaphore(%arg12 : memref<!tpu.dma_semaphore, #tpu.memory_space<semaphore_mem>>) src(%dma_wait3A_80 : memref<10000x64xf32, #tpu.memory_space<vmem_shared>>) dst(%dma_wait3A_74 : memref<128x64xf32, #tpu.memory_space<vmem>>)
    %run_scoped3A = arith.constant 0 : i32
    %run_scoped3A_81 = arith.constant 78 : i32
    "tpu.region"() ({
      %run_scoped3A_87 = tpu.sem_alloc : memref<!tpu.dma_semaphore, #tpu.memory_space<semaphore_mem>>
      %dma_start3A_88 = arith.constant 0 : i32
      %dma_start3A_89 = arith.constant 0 : i32
      %dma_start3A_90 = tpu.memref_slice %arg9[%run_scoped3A, %dma_start3A_88, %dma_start3A_89] : memref<2x128x64xf32, #tpu.memory_space<vmem>> -> memref<1x128x64xf32, #tpu.memory_space<vmem>>
      %dma_start3A_91 = tpu.memref_squeeze %dma_start3A_90 : memref<1x128x64xf32, #tpu.memory_space<vmem>> -> memref<128x64xf32, #tpu.memory_space<vmem>>
      %dma_start3A_92 = arith.constant 0 : i32
      %dma_start3A_93 = tpu.memref_slice %arg8[%run_scoped3A_81, %dma_start3A_92] : memref<79x128xi32, #tpu.memory_space<vmem>> -> memref<1x128xi32, #tpu.memory_space<vmem>>
      %dma_start3A_94 = tpu.memref_squeeze %dma_start3A_93 : memref<1x128xi32, #tpu.memory_space<vmem>> -> memref<128xi32, #tpu.memory_space<vmem>>
      %dma_start3A_95 = arith.constant 0 : i32
      %dma_start3A_96 = arith.constant 0 : i32
      %dma_start3A_97 = tpu.memref_slice %arg10[%dma_start3A_95, %dma_start3A_96] : memref<10240x64xf32, #tpu.memory_space<vmem_shared>> -> memref<10240x64xf32, #tpu.memory_space<vmem_shared>>
      tpu.enqueue_indirect_dma source(%dma_start3A_91 : memref<128x64xf32, #tpu.memory_space<vmem>>) target(%dma_start3A_97 : memref<10240x64xf32, #tpu.memory_space<vmem_shared>>) offsets(%dma_start3A_94 : memref<128xi32, #tpu.memory_space<vmem>>) semaphore(%run_scoped3A_87 : memref<!tpu.dma_semaphore, #tpu.memory_space<semaphore_mem>>) {add = true}
      %dma_wait3A_98 = arith.constant 0 : i32
      %dma_wait3A_99 = arith.constant 0 : i32
      %dma_wait3A_100 = tpu.memref_slice %arg9[%run_scoped3A, %dma_wait3A_98, %dma_wait3A_99] : memref<2x128x64xf32, #tpu.memory_space<vmem>> -> memref<1x128x64xf32, #tpu.memory_space<vmem>>
      %dma_wait3A_101 = tpu.memref_squeeze %dma_wait3A_100 : memref<1x128x64xf32, #tpu.memory_space<vmem>> -> memref<128x64xf32, #tpu.memory_space<vmem>>
      %dma_wait3A_102 = arith.constant 0 : i32
      %dma_wait3A_103 = tpu.memref_slice %arg8[%run_scoped3A_81, %dma_wait3A_102] : memref<79x128xi32, #tpu.memory_space<vmem>> -> memref<1x128xi32, #tpu.memory_space<vmem>>
      %dma_wait3A_104 = tpu.memref_squeeze %dma_wait3A_103 : memref<1x128xi32, #tpu.memory_space<vmem>> -> memref<128xi32, #tpu.memory_space<vmem>>
      %dma_wait3A_105 = arith.constant 0 : i32
      %dma_wait3A_106 = arith.constant 0 : i32
      %dma_wait3A_107 = tpu.memref_slice %arg10[%dma_wait3A_105, %dma_wait3A_106] : memref<10240x64xf32, #tpu.memory_space<vmem_shared>> -> memref<10240x64xf32, #tpu.memory_space<vmem_shared>>
      tpu.wait_indirect_dma semaphore(%run_scoped3A_87 : memref<!tpu.dma_semaphore, #tpu.memory_space<semaphore_mem>>) src(%dma_wait3A_101 : memref<128x64xf32, #tpu.memory_space<vmem>>) dst(%dma_wait3A_107 : memref<10240x64xf32, #tpu.memory_space<vmem_shared>>)
      tpu.yield
    }) : () -> ()
    %barrier3A_82 = arith.constant 0 : index
    tpu.barrier barrier_id(%barrier3A_82)
    %mul3A_83 = arith.constant 625 : i32
    %mul3A_84 = arith.muli %arg1, %mul3A_83 : i32
    %mul3A_85 = arith.constant 625 : i32
    %mul3A_86 = arith.muli %arg1, %mul3A_85 : i32
    "tpu.region"() ({
      %run_scoped3A_87 = tpu.sem_alloc : memref<!tpu.dma_semaphore, #tpu.memory_space<semaphore_mem>>
      %dma_start3A_88 = arith.constant 0 : i32
      %dma_start3A_89 = tpu.memref_slice %arg6[%arg0, %mul3A_86, %dma_start3A_88] : memref<2x10000x64xf32, #tpu.memory_space<hbm>> -> memref<1x625x64xf32, #tpu.memory_space<hbm>>
      %dma_start3A_90 = tpu.memref_squeeze %dma_start3A_89 : memref<1x625x64xf32, #tpu.memory_space<hbm>> -> memref<625x64xf32, #tpu.memory_space<hbm>>
      %dma_start3A_91 = arith.constant 0 : i32
      %dma_start3A_92 = tpu.memref_slice %arg10[%mul3A_84, %dma_start3A_91] : memref<10240x64xf32, #tpu.memory_space<vmem_shared>> -> memref<625x64xf32, #tpu.memory_space<vmem_shared>>
      tpu.enqueue_dma source(%dma_start3A_92 : memref<625x64xf32, #tpu.memory_space<vmem_shared>>) target(%dma_start3A_90 : memref<625x64xf32, #tpu.memory_space<hbm>>) target_semaphore(%run_scoped3A_87 : memref<!tpu.dma_semaphore, #tpu.memory_space<semaphore_mem>>)
      %dma_wait3A_93 = arith.constant 0 : i32
      %dma_wait3A_94 = tpu.memref_slice %arg6[%arg0, %mul3A_86, %dma_wait3A_93] : memref<2x10000x64xf32, #tpu.memory_space<hbm>> -> memref<1x625x64xf32, #tpu.memory_space<hbm>>
      %dma_wait3A_95 = tpu.memref_squeeze %dma_wait3A_94 : memref<1x625x64xf32, #tpu.memory_space<hbm>> -> memref<625x64xf32, #tpu.memory_space<hbm>>
      %dma_wait3A_96 = arith.constant 0 : i32
      %dma_wait3A_97 = tpu.memref_slice %arg10[%mul3A_84, %dma_wait3A_96] : memref<10240x64xf32, #tpu.memory_space<vmem_shared>> -> memref<625x64xf32, #tpu.memory_space<vmem_shared>>
      tpu.wait_dma2 semaphore(%run_scoped3A_87 : memref<!tpu.dma_semaphore, #tpu.memory_space<semaphore_mem>>) src(%dma_wait3A_97 : memref<625x64xf32, #tpu.memory_space<vmem_shared>>) dst(%dma_wait3A_95 : memref<625x64xf32, #tpu.memory_space<hbm>>)
      tpu.yield
    }) : () -> ()
    return
  }
}

module attributes {stable_mosaic.version = 14 : i64} {
  func.func @_tc_first_body(%arg0: i32, %arg1: memref<2000x1xf32, #tpu.memory_space<vmem>>, %arg2: memref<2000x1xf32, #tpu.memory_space<vmem>>, %arg3: memref<2000x128xf32, #tpu.memory_space<vmem>>, %arg4: memref<128x64xf32, #tpu.memory_space<vmem>>, %arg5: memref<2000x64xf32, #tpu.memory_space<vmem>>, %arg6: memref<2000x1xf32, #tpu.memory_space<vmem>>) attributes {dimension_semantics = [#tpu.dimension_semantics<arbitrary>], iteration_bounds = array<i64: 5>, scalar_prefetch = 0 : i64, scratch_operands = 0 : i64, tpu.core_type = #tpu.core_type<tc>, window_params = [{transform_indices = @transform_0, window_bounds = array<i64: 2000, 1>}, {transform_indices = @transform_1, window_bounds = array<i64: 2000, 1>}, {transform_indices = @transform_2, window_bounds = array<i64: 2000, 128>}, {pipeline_mode = #tpu.pipeline_mode<synchronous>, transform_indices = @transform_3, window_bounds = array<i64: 128, 64>}, {transform_indices = @transform_4, window_bounds = array<i64: 2000, 64>}, {transform_indices = @transform_5, window_bounds = array<i64: 2000, 1>}]} {
    %get3A = arith.constant 0 : index
    %get3A_0 = arith.constant 0 : index
    %get3A_1 = vector.load %arg1[%get3A, %get3A_0] : memref<2000x1xf32, #tpu.memory_space<vmem>>, vector<2000x1xf32>
    %get3A_2 = arith.constant 0 : index
    %get3A_3 = arith.constant 0 : index
    %get3A_4 = vector.load %arg2[%get3A_2, %get3A_3] : memref<2000x1xf32, #tpu.memory_space<vmem>>, vector<2000x1xf32>
    %add3A = arith.addf %get3A_1, %get3A_4 : vector<2000x1xf32>
    %add3A_5 = arith.constant 1.000000e+00 : f32
    %add3A_6 = vector.broadcast %add3A_5 : f32 to vector<2000x1xf32>
    %add3A_7 = arith.addf %add3A, %add3A_6 : vector<2000x1xf32>
    %rsqrt3A = math.rsqrt %add3A_7 : vector<2000x1xf32>
    %get3A_8 = arith.constant 0 : index
    %get3A_9 = arith.constant 0 : index
    %get3A_10 = vector.load %arg3[%get3A_8, %get3A_9] : memref<2000x128xf32, #tpu.memory_space<vmem>>, vector<2000x128xf32>
    %get3A_11 = arith.constant 0 : index
    %get3A_12 = arith.constant 0 : index
    %get3A_13 = vector.load %arg4[%get3A_11, %get3A_12] : memref<128x64xf32, #tpu.memory_space<vmem>>, vector<128x64xf32>
    %dot_general3A = arith.constant dense<0.000000e+00> : vector<2000x64xf32>
    %dot_general3A_14 = tpu.matmul %get3A_10, %get3A_13, %dot_general3A {dimension_numbers = #tpu.dot_dimension_numbers<[1], [0], [0], [1], [0, 0, 1, 1], [], []>, transpose_lhs_hint = false} : vector<2000x128xf32>, vector<128x64xf32>, vector<2000x64xf32> -> vector<2000x64xf32>
    %mul3A = vector.broadcast %rsqrt3A : vector<2000x1xf32> to vector<2000x64xf32>
    %mul3A_15 = arith.mulf %dot_general3A_14, %mul3A : vector<2000x64xf32>
    %swap3A = arith.constant 0 : index
    %swap3A_16 = arith.constant 0 : index
    %swap3A_17 = vector.load %arg5[%swap3A, %swap3A_16] : memref<2000x64xf32, #tpu.memory_space<vmem>>, vector<2000x64xf32>
    tpu.vector_store %arg5[%swap3A, %swap3A_16], %mul3A_15 {strides = array<i32>} : memref<2000x64xf32, #tpu.memory_space<vmem>>, vector<2000x64xf32>,
    %swap3A_18 = arith.constant 0 : index
    %swap3A_19 = arith.constant 0 : index
    %swap3A_20 = vector.load %arg6[%swap3A_18, %swap3A_19] : memref<2000x1xf32, #tpu.memory_space<vmem>>, vector<2000x1xf32>
    tpu.vector_store %arg6[%swap3A_18, %swap3A_19], %rsqrt3A {strides = array<i32>} : memref<2000x1xf32, #tpu.memory_space<vmem>>, vector<2000x1xf32>,
    return
  }
  func.func @transform_0(%arg0: i32) -> (i32, i32) {
    %c0_i32 = arith.constant 0 : i32
    %c0_i32_0 = arith.constant 0 : i32
    return %arg0, %c0_i32 : i32, i32
  }
  func.func @transform_1(%arg0: i32) -> (i32, i32) {
    %c0_i32 = arith.constant 0 : i32
    %c0_i32_0 = arith.constant 0 : i32
    return %arg0, %c0_i32 : i32, i32
  }
  func.func @transform_2(%arg0: i32) -> (i32, i32) {
    %c0_i32 = arith.constant 0 : i32
    %c0_i32_0 = arith.constant 0 : i32
    return %arg0, %c0_i32 : i32, i32
  }
  func.func @transform_3(%arg0: i32) -> (i32, i32) {
    %c0_i32 = arith.constant 0 : i32
    %c0_i32_0 = arith.constant 0 : i32
    %c0_i32_1 = arith.constant 0 : i32
    return %c0_i32, %c0_i32_0 : i32, i32
  }
  func.func @transform_4(%arg0: i32) -> (i32, i32) {
    %c0_i32 = arith.constant 0 : i32
    %c0_i32_0 = arith.constant 0 : i32
    return %arg0, %c0_i32 : i32, i32
  }
  func.func @transform_5(%arg0: i32) -> (i32, i32) {
    %c0_i32 = arith.constant 0 : i32
    %c0_i32_0 = arith.constant 0 : i32
    return %arg0, %c0_i32 : i32, i32
  }
}

module attributes {stable_mosaic.version = 14 : i64} {
  func.func @_tc_mid_body(%arg0: i32, %arg1: memref<2000x64xf32, #tpu.memory_space<vmem>>, %arg2: memref<2000x64xf32, #tpu.memory_space<vmem>>, %arg3: memref<2000x64xf32, #tpu.memory_space<vmem>>, %arg4: memref<2000x1xf32, #tpu.memory_space<vmem>>, %arg5: memref<1x64xf32, #tpu.memory_space<vmem>>, %arg6: memref<64x64xf32, #tpu.memory_space<vmem>>, %arg7: memref<2000x64xf32, #tpu.memory_space<vmem>>) attributes {dimension_semantics = [#tpu.dimension_semantics<arbitrary>], iteration_bounds = array<i64: 5>, scalar_prefetch = 0 : i64, scratch_operands = 0 : i64, tpu.core_type = #tpu.core_type<tc>, window_params = [{transform_indices = @transform_0, window_bounds = array<i64: 2000, 64>}, {transform_indices = @transform_1, window_bounds = array<i64: 2000, 64>}, {transform_indices = @transform_2, window_bounds = array<i64: 2000, 64>}, {transform_indices = @transform_3, window_bounds = array<i64: 2000, 1>}, {pipeline_mode = #tpu.pipeline_mode<synchronous>, transform_indices = @transform_4, window_bounds = array<i64: 1, 64>}, {pipeline_mode = #tpu.pipeline_mode<synchronous>, transform_indices = @transform_5, window_bounds = array<i64: 64, 64>}, {transform_indices = @transform_6, window_bounds = array<i64: 2000, 64>}]} {
    %get3A = arith.constant 0 : index
    %get3A_0 = arith.constant 0 : index
    %get3A_1 = vector.load %arg4[%get3A, %get3A_0] : memref<2000x1xf32, #tpu.memory_space<vmem>>, vector<2000x1xf32>
    %get3A_2 = arith.constant 0 : index
    %get3A_3 = arith.constant 0 : index
    %get3A_4 = vector.load %arg1[%get3A_2, %get3A_3] : memref<2000x64xf32, #tpu.memory_space<vmem>>, vector<2000x64xf32>
    %get3A_5 = arith.constant 0 : index
    %get3A_6 = arith.constant 0 : index
    %get3A_7 = vector.load %arg2[%get3A_5, %get3A_6] : memref<2000x64xf32, #tpu.memory_space<vmem>>, vector<2000x64xf32>
    %add3A = arith.addf %get3A_4, %get3A_7 : vector<2000x64xf32>
    %get3A_8 = arith.constant 0 : index
    %get3A_9 = arith.constant 0 : index
    %get3A_10 = vector.load %arg3[%get3A_8, %get3A_9] : memref<2000x64xf32, #tpu.memory_space<vmem>>, vector<2000x64xf32>
    %add3A_11 = arith.addf %add3A, %get3A_10 : vector<2000x64xf32>
    %mul3A = vector.broadcast %get3A_1 : vector<2000x1xf32> to vector<2000x64xf32>
    %mul3A_12 = arith.mulf %add3A_11, %mul3A : vector<2000x64xf32>
    %get3A_13 = arith.constant 0 : index
    %get3A_14 = arith.constant 0 : index
    %get3A_15 = vector.load %arg5[%get3A_13, %get3A_14] : memref<1x64xf32, #tpu.memory_space<vmem>>, vector<1x64xf32>
    %add3A_16 = vector.broadcast %get3A_15 : vector<1x64xf32> to vector<2000x64xf32>
    %add3A_17 = arith.addf %mul3A_12, %add3A_16 : vector<2000x64xf32>
    %max3A = arith.constant 0.000000e+00 : f32
    %max3A_18 = vector.broadcast %max3A : f32 to vector<2000x64xf32>
    %max3A_19 = arith.maximumf %add3A_17, %max3A_18 : vector<2000x64xf32>
    %get3A_20 = arith.constant 0 : index
    %get3A_21 = arith.constant 0 : index
    %get3A_22 = vector.load %arg6[%get3A_20, %get3A_21] : memref<64x64xf32, #tpu.memory_space<vmem>>, vector<64x64xf32>
    %dot_general3A = arith.constant dense<0.000000e+00> : vector<2000x64xf32>
    %dot_general3A_23 = tpu.matmul %max3A_19, %get3A_22, %dot_general3A {dimension_numbers = #tpu.dot_dimension_numbers<[1], [0], [0], [1], [0, 0, 1, 1], [], []>, transpose_lhs_hint = false} : vector<2000x64xf32>, vector<64x64xf32>, vector<2000x64xf32> -> vector<2000x64xf32>
    %mul3A_24 = vector.broadcast %get3A_1 : vector<2000x1xf32> to vector<2000x64xf32>
    %mul3A_25 = arith.mulf %dot_general3A_23, %mul3A_24 : vector<2000x64xf32>
    %swap3A = arith.constant 0 : index
    %swap3A_26 = arith.constant 0 : index
    %swap3A_27 = vector.load %arg7[%swap3A, %swap3A_26] : memref<2000x64xf32, #tpu.memory_space<vmem>>, vector<2000x64xf32>
    tpu.vector_store %arg7[%swap3A, %swap3A_26], %mul3A_25 {strides = array<i32>} : memref<2000x64xf32, #tpu.memory_space<vmem>>, vector<2000x64xf32>,
    return
  }
  func.func @transform_0(%arg0: i32) -> (i32, i32) {
    %c0_i32 = arith.constant 0 : i32
    %c0_i32_0 = arith.constant 0 : i32
    return %arg0, %c0_i32 : i32, i32
  }
  func.func @transform_1(%arg0: i32) -> (i32, i32) {
    %c0_i32 = arith.constant 0 : i32
    %c0_i32_0 = arith.constant 0 : i32
    return %arg0, %c0_i32 : i32, i32
  }
  func.func @transform_2(%arg0: i32) -> (i32, i32) {
    %c0_i32 = arith.constant 0 : i32
    %c0_i32_0 = arith.constant 0 : i32
    return %arg0, %c0_i32 : i32, i32
  }
  func.func @transform_3(%arg0: i32) -> (i32, i32) {
    %c0_i32 = arith.constant 0 : i32
    %c0_i32_0 = arith.constant 0 : i32
    return %arg0, %c0_i32 : i32, i32
  }
  func.func @transform_4(%arg0: i32) -> (i32, i32) {
    %c0_i32 = arith.constant 0 : i32
    %c0_i32_0 = arith.constant 0 : i32
    %c0_i32_1 = arith.constant 0 : i32
    return %c0_i32, %c0_i32_0 : i32, i32
  }
  func.func @transform_5(%arg0: i32) -> (i32, i32) {
    %c0_i32 = arith.constant 0 : i32
    %c0_i32_0 = arith.constant 0 : i32
    %c0_i32_1 = arith.constant 0 : i32
    return %c0_i32, %c0_i32_0 : i32, i32
  }
  func.func @transform_6(%arg0: i32) -> (i32, i32) {
    %c0_i32 = arith.constant 0 : i32
    %c0_i32_0 = arith.constant 0 : i32
    return %arg0, %c0_i32 : i32, i32
  }
}

module attributes {stable_mosaic.version = 14 : i64} {
  func.func @_tc_final_body(%arg0: i32, %arg1: memref<2000x64xf32, #tpu.memory_space<vmem>>, %arg2: memref<2000x64xf32, #tpu.memory_space<vmem>>, %arg3: memref<2000x64xf32, #tpu.memory_space<vmem>>, %arg4: memref<2000x1xf32, #tpu.memory_space<vmem>>, %arg5: memref<1x64xf32, #tpu.memory_space<vmem>>, %arg6: memref<2000x64xf32, #tpu.memory_space<vmem>>) attributes {dimension_semantics = [#tpu.dimension_semantics<arbitrary>], iteration_bounds = array<i64: 5>, scalar_prefetch = 0 : i64, scratch_operands = 0 : i64, tpu.core_type = #tpu.core_type<tc>, window_params = [{transform_indices = @transform_0, window_bounds = array<i64: 2000, 64>}, {transform_indices = @transform_1, window_bounds = array<i64: 2000, 64>}, {transform_indices = @transform_2, window_bounds = array<i64: 2000, 64>}, {transform_indices = @transform_3, window_bounds = array<i64: 2000, 1>}, {pipeline_mode = #tpu.pipeline_mode<synchronous>, transform_indices = @transform_4, window_bounds = array<i64: 1, 64>}, {transform_indices = @transform_5, window_bounds = array<i64: 2000, 64>}]} {
    %get3A = arith.constant 0 : index
    %get3A_0 = arith.constant 0 : index
    %get3A_1 = vector.load %arg1[%get3A, %get3A_0] : memref<2000x64xf32, #tpu.memory_space<vmem>>, vector<2000x64xf32>
    %get3A_2 = arith.constant 0 : index
    %get3A_3 = arith.constant 0 : index
    %get3A_4 = vector.load %arg2[%get3A_2, %get3A_3] : memref<2000x64xf32, #tpu.memory_space<vmem>>, vector<2000x64xf32>
    %add3A = arith.addf %get3A_1, %get3A_4 : vector<2000x64xf32>
    %get3A_5 = arith.constant 0 : index
    %get3A_6 = arith.constant 0 : index
    %get3A_7 = vector.load %arg3[%get3A_5, %get3A_6] : memref<2000x64xf32, #tpu.memory_space<vmem>>, vector<2000x64xf32>
    %add3A_8 = arith.addf %add3A, %get3A_7 : vector<2000x64xf32>
    %get3A_9 = arith.constant 0 : index
    %get3A_10 = arith.constant 0 : index
    %get3A_11 = vector.load %arg4[%get3A_9, %get3A_10] : memref<2000x1xf32, #tpu.memory_space<vmem>>, vector<2000x1xf32>
    %mul3A = vector.broadcast %get3A_11 : vector<2000x1xf32> to vector<2000x64xf32>
    %mul3A_12 = arith.mulf %add3A_8, %mul3A : vector<2000x64xf32>
    %get3A_13 = arith.constant 0 : index
    %get3A_14 = arith.constant 0 : index
    %get3A_15 = vector.load %arg5[%get3A_13, %get3A_14] : memref<1x64xf32, #tpu.memory_space<vmem>>, vector<1x64xf32>
    %add3A_16 = vector.broadcast %get3A_15 : vector<1x64xf32> to vector<2000x64xf32>
    %add3A_17 = arith.addf %mul3A_12, %add3A_16 : vector<2000x64xf32>
    %swap3A = arith.constant 0 : index
    %swap3A_18 = arith.constant 0 : index
    %swap3A_19 = vector.load %arg6[%swap3A, %swap3A_18] : memref<2000x64xf32, #tpu.memory_space<vmem>>, vector<2000x64xf32>
    tpu.vector_store %arg6[%swap3A, %swap3A_18], %add3A_17 {strides = array<i32>} : memref<2000x64xf32, #tpu.memory_space<vmem>>, vector<2000x64xf32>,
    return
  }
  func.func @transform_0(%arg0: i32) -> (i32, i32) {
    %c0_i32 = arith.constant 0 : i32
    %c0_i32_0 = arith.constant 0 : i32
    return %arg0, %c0_i32 : i32, i32
  }
  func.func @transform_1(%arg0: i32) -> (i32, i32) {
    %c0_i32 = arith.constant 0 : i32
    %c0_i32_0 = arith.constant 0 : i32
    return %arg0, %c0_i32 : i32, i32
  }
  func.func @transform_2(%arg0: i32) -> (i32, i32) {
    %c0_i32 = arith.constant 0 : i32
    %c0_i32_0 = arith.constant 0 : i32
    return %arg0, %c0_i32 : i32, i32
  }
  func.func @transform_3(%arg0: i32) -> (i32, i32) {
    %c0_i32 = arith.constant 0 : i32
    %c0_i32_0 = arith.constant 0 : i32
    return %arg0, %c0_i32 : i32, i32
  }
  func.func @transform_4(%arg0: i32) -> (i32, i32) {
    %c0_i32 = arith.constant 0 : i32
    %c0_i32_0 = arith.constant 0 : i32
    %c0_i32_1 = arith.constant 0 : i32
    return %c0_i32, %c0_i32_0 : i32, i32
  }
  func.func @transform_5(%arg0: i32) -> (i32, i32) {
    %c0_i32 = arith.constant 0 : i32
    %c0_i32_0 = arith.constant 0 : i32
    return %arg0, %c0_i32 : i32, i32
  }
}

</mosaic_0001>

<sc_bundles>
// kernel: kernel.10.cloned.1.call-start
scs
__scs_entry_jumppad:
0x0: {  	(pc) =	sbr.rel $0x88, $3  }
0x1: {  	(tag) =	ssettag $0x0;
	lr =	simm.s32 $0x1  }
0x2: {  	[smem:$0x3F99] =	sst lr;
	_ =	strace $0xD0000000  }
0x3: {  	_ = 	snop  }
0x4: {  	_ = 	snop  }
0x5: {  	_ = 	snop  }
0x6: {  	_ = 	snop  }
0x7: {  	_ = 	snop  }
__scs_overlays_trampoline_lowered:
0x8: {  	[smem:$0x3FA8] =	sst s0  }
0x9: {  	[smem:$0x3FA9] =	sst s1  }
0xa: {  	[smem:$0x3FAA] =	sst s2  }
0xb: {  	[smem:$0x3FAB] =	sst s3  }
0xc: {  	[smem:$0x3FAC] =	sst s4  }
0xd: {  	[smem:$0x3FAD] =	sst s5  }
0xe: {  	[smem:$0x3FAE] =	sst s6  }
0xf: {  	[smem:$0x3FAF] =	sst s7  }
0x10: {  	[smem:$0x3FB0] =	sst s8  }
0x11: {  	[smem:$0x3FB1] =	sst s9;
	s0 =	simm.s32 @!p0 $0x0  }
0x12: {  	s1 =	sld [smem:$0x3F97];
	s0 =	simm.s32 @p0 $0x1  }
0x13: {  	[smem:$0x3FB2] =	sst s0;
	s0 =	simm.s32 @!p1 $0x0  }
0x14: {  	s2 =	sld [smem:$0x3F96];
	s0 =	simm.s32 @p1 $0x1  }
0x15: {  	[smem:$0x3FB3] =	sst s0;
	s0 =	simm.s32 @!p2 $0x0  }
0x16: {  	s3 =	sld [smem:$0x3FDB];
	s0 =	simm.s32 @p2 $0x1  }
0x17: {  	s4 =	simm.s32 $0x1BF5;
	[smem:$0x3FB5] =	sst s0  }
0x18: {  	s0 =	sld [smem:$0x3F98];
	_ =	swait.ge [sflag:s4], $0x0  }
0x19: {  	s7 =	sld [smem:$0x3F99]  }
0x1a: {  	s8 =	sadd.s32 $0xFFFFE003, lr  }
0x1b: {  	s9 =	sadd.s32 $0xFFFFFEF7, lr;
	s5 =	simm.s32 $0xFFFFFFFF;
	p2 =	slt.u32 s8, $0xFFFFF086  }
0x1c: {  	p1 =	slt.u32 s9, $0xF7A;
	s5 =	simm.s32 @!p2 $0x0  }
0x1d: {  	s5 =	simm.s32 @p1 $0x1;
	p0 =	seq.s32 s7, s2  }
0x1e: {  	s7 =	smul.u32 @!p0 $0xF7A, s2;
	p2 =	seq.s32 @!p0 s5, $0x0  }
0x1f: {  	s9 =	smul.u32 $0xF7A, s1;
	s8 =	simm.s32 @!p0 $0x1BF5;
	p2 =	por !p2, p0  }
0x20: {  	[sflag:s8] =	ssyncset.s32 @!p0 $0xFFFFF086;
	s6 =	sadd.s32 @!p0 s3, s7;
	s7 =	simm.s32 @!p0 $0x108  }
0x21: {  	s3 =	sadd.s32 s3, s9;
	s6 =	sadd.s32 @!p0 $0x88, s6;
	s7 =	simm.s32 @p2 $0x1082  }
0x22: {  	[simem:s7], [sflag:s8] =	dma.local @!p0 [hbm:s6], $0xF7A  }
0x23: {  	s9 =	sor.u32 $0xD0000000, s2;
	s6 =	simm.s32 $0x108;
	_ =	swait.ge @!p0 [sflag:s8], $0x0  }
0x24: {  	s3 =	sadd.s32 $0x88, s3;
	s6 =	simm.s32 @!p1 $0x1082;
	[sflag:s4] =	ssyncset.s32 $0xFFFFF086  }
0x25: {  	[simem:s6], [sflag:s4] =	dma.local [hbm:s3], $0xF7A  }
0x26: {  	[smem:$0x3F99] =	sst s1;
	(tag) =	ssettag s2;
	_ =	strace s9  }
0x27: {  	s1 =	sld [smem:$0x3FA9]  }
0x28: {  	s2 =	sld [smem:$0x3FAA]  }
0x29: {  	s4 =	sld [smem:$0x3FAC]  }
0x2a: {  	p0 =	seq.s32 s5, $0x0;
	s5 =	sld [smem:$0x3FAD]  }
0x2b: {  	s6 =	sld [smem:$0x3FAE]  }
0x2c: {  	s7 =	sld [smem:$0x3FAF]  }
0x2d: {  	s3 =	simm.s32 $0x108;
	s8 =	sld [smem:$0x3FB0]  }
0x2e: {  	s3 =	simm.s32 @!p0 $0x1082;
	s9 =	sld [smem:$0x3FB1]  }
0x2f: {  	lr =	sadd.s32 s0, s3;
	s0 =	sld [smem:$0x3FA8]  }
0x30: {  	s3 =	sld [smem:$0x3FAB]  }
0x31: {  	[smem:$0x3FB4] =	sst s10  }
0x32: {  	s10 =	sld [smem:$0x3FB2];
	_ =	sdelay $0x3  }
0x33: {  	p0 =	seq.s32 s10, $0x1;
	s10 =	sld [smem:$0x3FB4];
	_ =	sdelay $0x3  }
0x34: {  	[smem:$0x3FB4] =	sst s10  }
0x35: {  	s10 =	sld [smem:$0x3FB3];
	_ =	sdelay $0x3  }
0x36: {  	p1 =	seq.s32 s10, $0x1;
	s10 =	sld [smem:$0x3FB4];
	_ =	sdelay $0x3  }
0x37: {  	[smem:$0x3FB4] =	sst s10  }
0x38: {  	s10 =	sld [smem:$0x3FB5]  }
0x39: {  	_ = 	snop;
	(pc) =	sbr.ind lr, $3  }
0x3a: {  	_ = 	snop  }
0x3b: {  	_ = 	snop  }
0x3c: {  	p2 =	seq.s32 s10, $0x1;
	s10 =	sld [smem:$0x3FB4]  }
0x3d: {  	_ =	shalt  }
0x3e: {  	_ =	shalt  }
0x3f: {  	_ =	shalt  }
0x40: {  	_ =	shalt  }
0x41: {  	_ =	shalt  }
0x42: {  	_ =	shalt  }
0x43: {  	_ =	shalt  }
0x44: {  	_ =	shalt  }
0x45: {  	_ =	shalt  }
0x46: {  	_ =	shalt  }
0x47: {  	_ =	shalt  }
0x48: {  	_ =	shalt  }
0x49: {  	_ =	shalt  }
0x4a: {  	_ =	shalt  }
0x4b: {  	_ =	shalt  }
0x4c: {  	_ =	shalt  }
0x4d: {  	_ =	shalt  }
0x4e: {  	_ =	shalt  }
0x4f: {  	_ =	shalt  }
0x50: {  	_ =	shalt  }
0x51: {  	_ =	shalt  }
0x52: {  	_ =	shalt  }
0x53: {  	_ =	shalt  }
0x54: {  	_ =	shalt  }
0x55: {  	_ =	shalt  }
0x56: {  	_ =	shalt  }
0x57: {  	_ =	shalt  }
0x58: {  	_ =	shalt  }
0x59: {  	_ =	shalt  }
0x5a: {  	_ =	shalt  }
0x5b: {  	_ =	shalt  }
0x5c: {  	_ =	shalt  }
0x5d: {  	_ =	shalt  }
0x5e: {  	_ =	shalt  }
0x5f: {  	_ =	shalt  }
0x60: {  	_ =	shalt  }
0x61: {  	_ =	shalt  }
0x62: {  	_ =	shalt  }
0x63: {  	_ =	shalt  }
0x64: {  	_ =	shalt  }
0x65: {  	_ =	shalt  }
0x66: {  	_ =	shalt  }
0x67: {  	_ =	shalt  }
0x68: {  	_ =	shalt  }
0x69: {  	_ =	shalt  }
0x6a: {  	_ =	shalt  }
0x6b: {  	_ =	shalt  }
0x6c: {  	_ =	shalt  }
0x6d: {  	_ =	shalt  }
0x6e: {  	_ =	shalt  }
0x6f: {  	_ =	shalt  }
0x70: {  	_ =	shalt  }
0x71: {  	_ =	shalt  }
0x72: {  	_ =	shalt  }
0x73: {  	_ =	shalt  }
0x74: {  	_ =	shalt  }
0x75: {  	_ =	shalt  }
0x76: {  	_ =	shalt  }
0x77: {  	_ =	shalt  }
0x78: {  	_ =	shalt  }
0x79: {  	_ =	shalt  }
0x7a: {  	_ =	shalt  }
0x7b: {  	_ =	shalt  }
0x7c: {  	_ =	shalt  }
0x7d: {  	_ =	shalt  }
0x7e: {  	_ =	shalt  }
0x7f: {  	_ =	shalt  }
0x80: {  	_ =	shalt  }
0x81: {  	_ =	shalt  }
0x82: {  	_ =	shalt  }
0x83: {  	_ =	shalt  }
0x84: {  	_ =	shalt  }
0x85: {  	_ =	shalt  }
0x86: {  	_ =	shalt  }
0x87: {  	_ =	shalt  }
.Lfunc_end0:
.L_simem_size_0:
called_computation_lowered:
.L_overlay_start_0:
0x88: {  	s2 =	sld [smem:$0x3FD9]  }
0x89: {  	s3 =	sld [smem:$0x3FFE];
	_ =	sdelay $0x1  }
0x8a: {  	s1 =	srdreg.scid  }
0x8b: {  	s0 =	sand.u32 $0x1, s1  }
0x8c: {  	s17 =	sshll.u32 s0, $0xA;
	s2 =	sadd.s32 s3, s2  }
0x8d: {  	s2 =	sadd.s32 s2, s17  }
0x8e: {  	[smem:$0x3FC0] =	sst s2  }
0x8f: {  	_ = 	snop  }
0x90: {  	s2 =	sld [smem:$0x3FD0];
	(tm) =	ssettm $0x1  }
0x91: {  	s18 =	sld [smem:$0x3FFB];
	_ =	sdelay $0x3  }
0x92: {  	_ =	strace s18  }
0x93: {  	s3 =	sld [smem:$0x3FFC];
	_ =	sdelay $0x3  }
0x94: {  	_ =	strace s3  }
0x95: {  	s3 =	sld [smem:$0x3FFD];
	_ =	sdelay $0x3  }
0x96: {  	_ =	strace s3  }
0x97: {  	_ =	strace $0x8FFFFFFF  }
0x98: {  	s19 =	sld [smem:$0x3FDB];
	_ =	sdelay $0x1  }
0x99: {  	s4 =	simm.s32 $_scs_section_size  }
0x9a: {  	s5 =	simm.s32 $_size__tile_overlayer_lowered;
	s6 =	simm.s32 $_tile_overlayer_lowered  }
0x9b: {  	s22 =	simm.s32 $0x1BFF;
	s21 =	sshll.u32 s6, $0x1;
	s3 =	sadd.s32 s4, s19  }
0x9c: {  	s7 =	simm.s32 $0x0;
	s20 =	sshll.u32 s5, $0x1;
	s5 =	sadd.s32 s21, s3  }
0x9d: {  	[timem:s7], [sflag:s22] =	dma.local [hbm:s5], s20  }
0x9e: {  	_ =	swait.ge [sflag:s22], s20  }
0x9f: {  	s4 =	ssub.s32 $0x0, s20;
	[sflag:s22] =	ssyncset.done $0x0  }
0xa0: {  	[sflag:s22] =	ssyncadd.s32 s4;
	_ =	sdelay $0x1  }
0xa1: {  	s23 =	simm.s32 $0x1B8B  }
0xa2: {  	_ =	swait.ge [sflag:s23], $0x1  }
0xa3: {  	[sflag:s23] =	ssyncset.done $0x0  }
0xa4: {  	s25 =	simm.s32 $0x1B8E;
	s24 =	sld [smem:$0x3FFE];
	[sflag:s23] =	ssyncadd.s32 $0xFFFFFFFF  }
0xa5: {  	s26 =	simm.s32 $execute0_lowered;
	[smem:$0x3FD2] =	sst s25  }
0xa6: {  	s5 =	sshll.u32 s26, $0x1;
	_ =	strace $0x80000046;
	[dreg:$0x1] =	wrdreg $0xFFFFFFFF  }
0xa7: {  	s28 =	simm.s32 $_size_execute0_lowered;
	s3 =	sadd.s32 s3, s5;
	[dreg:$0x0] =	wrdreg $0x0  }
0xa8: {  	s5 =	sshll.u32 s28, $0x1;
	[dreg:$0x2] =	wrdreg s3  }
0xa9: {  	[dreg:$0x3] =	wrdreg s5  }
0xaa: {  	[dreg:$0x4] =	wrdreg $0xC0  }
0xab: {  	_ =	task [dreg:s7], $0x5FFFF  }
0xac: {  	[dreg:$0x1] =	wrdreg $0xFFFFFFFF  }
0xad: {  	[dreg:$0x0] =	wrdreg $0x60  }
0xae: {  	[dreg:$0x2] =	wrdreg s24  }
0xaf: {  	[dreg:$0x3] =	wrdreg s2  }
0xb0: {  	[dreg:$0x4] =	wrdreg $0x28000  }
0xb1: {  	[dreg:$0x5] =	wrdreg $0x9  }
0xb2: {  	_ =	task.clear_ibuf [dreg:s7], $0x6FFFF;
	_ =	strace $0x90000046  }
0xb3: {  	s29 =	simm.s32 $0x9;
	_ =	strace $0x80000048  }
0xb4: {  	_ =	swait.ge [sflag:s29], $0x1  }
0xb5: {  	[sflag:s29] =	ssyncadd.s32 $0xFFFFFFFF  }
0xb6: {  	_ =	strace $0x90000048  }
0xb7: {  	_ =	sfence  }
0xb8: {  	s30 =	sld [smem:$0x0];
	_ =	sdelay $0x2  }
0xb9: {  	s31 =	sshll.u32 s1, $0xD;
	s1 =	sshrl.u32 s1, $0x2  }
0xba: {  	s3 =	sand.u32 $0x4000, s31;
	s1 =	sadd.s32 s1, s30  }
0xbb: {  	s0 =	sor.u32 s3, s0;
	s1 =	sshll.u32 s1, $0x11  }
0xbc: {  	s0 =	sor.u32 s1, s0  }
0xbd: {  	s0 =	sadd.s32 $0x8F2B, s0  }
0xbe: {  	[sflag:s0] =	ssyncadd.remote.s32 $0x1  }
0xbf: {  	_ =	sfence.sel $0xFFFF  }
0xc0: {  	[dreg:$0x0] =	wrdreg $0xFFFFFFFF;
	(pc) =	sbr.abs _section_cstart, $3  }
0xc1: {  	[dreg:$0x1] =	wrdreg $0xFFFFFFFF  }
0xc2: {  	_ =	task.clear_ibuf [dreg:s7], $0x2FFFF;
	_ =	strace $0x9FFFFFFF  }
0xc3: {  	(tm) =	ssettm $0x7FFFFFFF  }
tec
execute0_lowered:
.L_overlay_start_1:
0x0: {  	(tag) =	ssettag $0x1  }
0x1: {  	s5 =	rddreg [dreg:$0x0]  }
0x2: {  	s7 =	rddreg [dreg:$0x1];
	s0 =	srdreg.scid  }
0x3: {  	s2 =	rddreg [dreg:$0x2];
	s1 =	stileid.u32  }
0x4: {  	s3 =	simm.s32 $0x0;
	s13 =	simm.s32 $0x80;
	s14 =	simm.s32 $0x0  }
0x5: {  	s4 =	sand.u32 $0x1, s0;
	s0 =	rddreg [dreg:$0x3];
	s8 =	smul.u32 $0x2780, s1  }
0x6: {  	[smem:$0x7FF] =	sst s3;
	s29 =	smul.u32 $0x280, s1;
	s31 =	sshll.u32 s1, $0x6  }
0x7: {  	s6 =	smul.u32 $0x27800, s4;
	_ =	strace $0x80000047;
	s9 =	ssub.s32 $0x2, s4  }
0x8: {  	s10 =	smul.u32 $0x2800, s4;
	s4 =	sadd.s32 $0xC800, s5;
	s11 =	sshrl.u32 s9, $0x1  }
0x9: {  	s12 =	sadd.s32 s29, s2;
	s6 =	sadd.s32 s8, s6;
	s9 =	ssub.s32 s9, s11  }
0xa: {  	s10 =	sadd.s32 s29, s10;
	s11 =	sor.u32 $0x1C01, s31;
	s12 =	sshrl.u32 s12, $0x3  }
0xb: {  	s6 =	sshrl.u32 s6, $0x3;
	s30 =	sshrl.u32 s10, $0x3;
	s8 =	smax.u32 s9, $0x1  }
0xc: {  	s9 =	simm.s32 $0x1;
	s10 =	simm.s32 $0x2780;
	s6 =	sadd.s32 s6, s5  }
0xd: {  	s5 =	sadd.s32 $0xCA00, s5;
	s7 =	sadd.s32 s7, s30;
	s6 =	sadd.s32 $0x2A00, s6  }
.LBB2_1:
0xe: {  	[tilespmem:s3], [sflag:$0x1] =	stream.linear.gather [hbm4b:s6+s3], $0x2780, $0x38;
	[tilespmem:$0x2A80] =	vst v63  }
0xf: {  	_ =	swait.ge [sflag:s9], $0x2780  }
0x10: {  	[sflag:s9] =	ssyncset.done $0x0  }
0x11: {  	[sflag:s9] =	ssyncadd.s32 $0xFFFFD880  }
0x12: {  	[tilespmem:s10], [sflag:$0x1] =	stream.linear.gather [hbm4b:s4+s3], $0x80, $0x38;
	[tilespmem:$0x2A80] =	vst v63  }
0x13: {  	_ =	swait.ge [sflag:s9], $0x80  }
0x14: {  	[sflag:s9] =	ssyncset.done $0x0  }
0x15: {  	[sflag:s9] =	ssyncadd.s32 $0xFFFFFF80  }
0x16: {  	[spmem:s12], [sflag:s11] =	dma.local [hbm:s5], $0x50  }
0x17: {  	_ =	swait.ge [sflag:s9], $0x50  }
0x18: {  	[sflag:s9] =	ssyncset.done $0x0  }
0x19: {  	[sflag:s9] =	ssyncadd.s32 $0xFFFFFFB0  }
0x1a: {  	s15 =	simm.s32 $0x0;
	[bflag:$0x0] =	sbarrier.arrive $0xFFFF  }
0x1b: {  	[spmem:s2] =	stream.indirect.scatter.add.f32 [tilespmem:s10], [sflag:$0x1], $0x1, s15, s13, $0xb8;
	[tilespmem:$0x2A80] =	vst v63  }
0x1c: {  	_ =	swait.ge [sflag:s9], $0x80  }
0x1d: {  	s15 =	simm.s32 $0x200;
	[sflag:s9] =	ssyncset.done $0x0  }
.LBB2_2:
0x1e: {  	s16 =	sshra.s32 s15, $0x2;
	[sflag:s9] =	ssyncadd.s32 $0xFFFFFF80;
	p0 =	sne.s32 s15, $0x9C00  }
0x1f: {  	[spmem:s2] =	stream.indirect.scatter.add.f32 [tilespmem:s10], [sflag:$0x1], $0x1, s16, s13, $0xb8;
	[tilespmem:$0x2A80] =	vst v63  }
.Ltmp0:
0x20: {  	_ = 	snop;
	(pc) =	sbr.rel @p0 .LBB2_2-.Ltmp0, $4  }
0x21: {  	_ = 	snop  }
0x22: {  	s15 =	sadd.s32 $0x200, s15  }
0x23: {  	_ =	swait.ge [sflag:s9], $0x80  }
0x24: {  	[sflag:s9] =	ssyncset.done $0x0  }
0x25: {  	s14 =	sadd.s32 $0x1, s14  }
0x26: {  	[sflag:s9] =	ssyncadd.s32 $0xFFFFFF80;
	p0 =	sne.s32 s14, s8  }
.Ltmp1:
0x27: {  	[bflag:$0x0] =	sbarrier.arrive $0xFFFF;
	(pc) =	sbr.rel @p0 .LBB2_1-.Ltmp1, $4  }
0x28: {  	[hbm:s7], [sflag:s11] =	dma.local [spmem:s12], $0x50  }
0x29: {  	_ =	swait.ge [sflag:s9], $0x50  }
0x2a: {  	[sflag:s9] =	ssyncset.done $0x0  }
0x2b: {  	[sflag:s9] =	ssyncadd.s32 $0xFFFFFFB0  }
0x2c: {  	_ =	sfence.sel $0x180000  }
0x2d: {  	[bflag:$0x0] =	sbarrier.arrive $0xFFFF  }
0x2e: {  	p0 =	sne.s32 s1, $0x0;
	_ =	strace $0x90000047  }
0x2f: {  	s0 =	sadd.s32 @!p0 $0x100000, s0;
	[bflag:$0x2] =	sbarrier.arrive $0xFFFF  }
0x30: {  	[sflag:s0] =	ssyncadd.tile.s32 @!p0 $0x1;
	_ =	shalt  }
.Lfunc_end2:
_tile_overlayer_lowered:
.L_overlay_start_2:
0x31: {  	(tag) =	ssettag $0x2  }
0x32: {  	s0 =	rddreg [dreg:$0x0];
	s2 =	stileid.u32  }
0x33: {  	s1 =	rddreg [dreg:$0x1];
	p0 =	sne.s32 s2, $0x0  }
0x34: {  	s3 =	rddreg [dreg:$0x2];
	[bflag:$0x3] =	sbarrier.arrive $0xFFFF;
	s2 =	simm.s32 @!p0 $0x1C01  }
0x35: {  	[timem:s3], [sflag:s2] =	dma.local @!p0 [hbm:s0], s1  }
0x36: {  	s0 =	simm.s32 @!p0 $0x1  }
0x37: {  	_ =	swait.ge @!p0 [sflag:s0], s1  }
0x38: {  	s1 =	ssub.s32 @!p0 $0x0, s1;
	[sflag:s0] =	ssyncset.done @!p0 $0x0  }
0x39: {  	[sflag:s0] =	ssyncadd.s32 @!p0 s1  }
0x3a: {  	[bflag:$0x3] =	sbarrier.arrive $0xFFFF  }
0x3b: {  	_ =	shalt  }

// kernel: kernel.13.cloned.1.call-start
scs
__scs_entry_jumppad:
0x0: {  	(pc) =	sbr.rel $0x88, $3  }
0x1: {  	(tag) =	ssettag $0x0;
	lr =	simm.s32 $0x1  }
0x2: {  	[smem:$0x3F99] =	sst lr;
	_ =	strace $0xD0000000  }
0x3: {  	_ = 	snop  }
0x4: {  	_ = 	snop  }
0x5: {  	_ = 	snop  }
0x6: {  	_ = 	snop  }
0x7: {  	_ = 	snop  }
__scs_overlays_trampoline_lowered:
0x8: {  	[smem:$0x3FA8] =	sst s0  }
0x9: {  	[smem:$0x3FA9] =	sst s1  }
0xa: {  	[smem:$0x3FAA] =	sst s2  }
0xb: {  	[smem:$0x3FAB] =	sst s3  }
0xc: {  	[smem:$0x3FAC] =	sst s4  }
0xd: {  	[smem:$0x3FAD] =	sst s5  }
0xe: {  	[smem:$0x3FAE] =	sst s6  }
0xf: {  	[smem:$0x3FAF] =	sst s7  }
0x10: {  	[smem:$0x3FB0] =	sst s8  }
0x11: {  	[smem:$0x3FB1] =	sst s9;
	s0 =	simm.s32 @!p0 $0x0  }
0x12: {  	s1 =	sld [smem:$0x3F97];
	s0 =	simm.s32 @p0 $0x1  }
0x13: {  	[smem:$0x3FB2] =	sst s0;
	s0 =	simm.s32 @!p1 $0x0  }
0x14: {  	s2 =	sld [smem:$0x3F96];
	s0 =	simm.s32 @p1 $0x1  }
0x15: {  	[smem:$0x3FB3] =	sst s0;
	s0 =	simm.s32 @!p2 $0x0  }
0x16: {  	s3 =	sld [smem:$0x3FDB];
	s0 =	simm.s32 @p2 $0x1  }
0x17: {  	s4 =	simm.s32 $0x1BF5;
	[smem:$0x3FB5] =	sst s0  }
0x18: {  	s0 =	sld [smem:$0x3F98];
	_ =	swait.ge [sflag:s4], $0x0  }
0x19: {  	s7 =	sld [smem:$0x3F99]  }
0x1a: {  	s8 =	sadd.s32 $0xFFFFE003, lr  }
0x1b: {  	s9 =	sadd.s32 $0xFFFFFEF7, lr;
	s5 =	simm.s32 $0xFFFFFFFF;
	p2 =	slt.u32 s8, $0xFFFFF086  }
0x1c: {  	p1 =	slt.u32 s9, $0xF7A;
	s5 =	simm.s32 @!p2 $0x0  }
0x1d: {  	s5 =	simm.s32 @p1 $0x1;
	p0 =	seq.s32 s7, s2  }
0x1e: {  	s7 =	smul.u32 @!p0 $0xF7A, s2;
	p2 =	seq.s32 @!p0 s5, $0x0  }
0x1f: {  	s9 =	smul.u32 $0xF7A, s1;
	s8 =	simm.s32 @!p0 $0x1BF5;
	p2 =	por !p2, p0  }
0x20: {  	[sflag:s8] =	ssyncset.s32 @!p0 $0xFFFFF086;
	s6 =	sadd.s32 @!p0 s3, s7;
	s7 =	simm.s32 @!p0 $0x108  }
0x21: {  	s3 =	sadd.s32 s3, s9;
	s6 =	sadd.s32 @!p0 $0x88, s6;
	s7 =	simm.s32 @p2 $0x1082  }
0x22: {  	[simem:s7], [sflag:s8] =	dma.local @!p0 [hbm:s6], $0xF7A  }
0x23: {  	s9 =	sor.u32 $0xD0000000, s2;
	s6 =	simm.s32 $0x108;
	_ =	swait.ge @!p0 [sflag:s8], $0x0  }
0x24: {  	s3 =	sadd.s32 $0x88, s3;
	s6 =	simm.s32 @!p1 $0x1082;
	[sflag:s4] =	ssyncset.s32 $0xFFFFF086  }
0x25: {  	[simem:s6], [sflag:s4] =	dma.local [hbm:s3], $0xF7A  }
0x26: {  	[smem:$0x3F99] =	sst s1;
	(tag) =	ssettag s2;
	_ =	strace s9  }
0x27: {  	s1 =	sld [smem:$0x3FA9]  }
0x28: {  	s2 =	sld [smem:$0x3FAA]  }
0x29: {  	s4 =	sld [smem:$0x3FAC]  }
0x2a: {  	p0 =	seq.s32 s5, $0x0;
	s5 =	sld [smem:$0x3FAD]  }
0x2b: {  	s6 =	sld [smem:$0x3FAE]  }
0x2c: {  	s7 =	sld [smem:$0x3FAF]  }
0x2d: {  	s3 =	simm.s32 $0x108;
	s8 =	sld [smem:$0x3FB0]  }
0x2e: {  	s3 =	simm.s32 @!p0 $0x1082;
	s9 =	sld [smem:$0x3FB1]  }
0x2f: {  	lr =	sadd.s32 s0, s3;
	s0 =	sld [smem:$0x3FA8]  }
0x30: {  	s3 =	sld [smem:$0x3FAB]  }
0x31: {  	[smem:$0x3FB4] =	sst s10  }
0x32: {  	s10 =	sld [smem:$0x3FB2];
	_ =	sdelay $0x3  }
0x33: {  	p0 =	seq.s32 s10, $0x1;
	s10 =	sld [smem:$0x3FB4];
	_ =	sdelay $0x3  }
0x34: {  	[smem:$0x3FB4] =	sst s10  }
0x35: {  	s10 =	sld [smem:$0x3FB3];
	_ =	sdelay $0x3  }
0x36: {  	p1 =	seq.s32 s10, $0x1;
	s10 =	sld [smem:$0x3FB4];
	_ =	sdelay $0x3  }
0x37: {  	[smem:$0x3FB4] =	sst s10  }
0x38: {  	s10 =	sld [smem:$0x3FB5]  }
0x39: {  	_ = 	snop;
	(pc) =	sbr.ind lr, $3  }
0x3a: {  	_ = 	snop  }
0x3b: {  	_ = 	snop  }
0x3c: {  	p2 =	seq.s32 s10, $0x1;
	s10 =	sld [smem:$0x3FB4]  }
0x3d: {  	_ =	shalt  }
0x3e: {  	_ =	shalt  }
0x3f: {  	_ =	shalt  }
0x40: {  	_ =	shalt  }
0x41: {  	_ =	shalt  }
0x42: {  	_ =	shalt  }
0x43: {  	_ =	shalt  }
0x44: {  	_ =	shalt  }
0x45: {  	_ =	shalt  }
0x46: {  	_ =	shalt  }
0x47: {  	_ =	shalt  }
0x48: {  	_ =	shalt  }
0x49: {  	_ =	shalt  }
0x4a: {  	_ =	shalt  }
0x4b: {  	_ =	shalt  }
0x4c: {  	_ =	shalt  }
0x4d: {  	_ =	shalt  }
0x4e: {  	_ =	shalt  }
0x4f: {  	_ =	shalt  }
0x50: {  	_ =	shalt  }
0x51: {  	_ =	shalt  }
0x52: {  	_ =	shalt  }
0x53: {  	_ =	shalt  }
0x54: {  	_ =	shalt  }
0x55: {  	_ =	shalt  }
0x56: {  	_ =	shalt  }
0x57: {  	_ =	shalt  }
0x58: {  	_ =	shalt  }
0x59: {  	_ =	shalt  }
0x5a: {  	_ =	shalt  }
0x5b: {  	_ =	shalt  }
0x5c: {  	_ =	shalt  }
0x5d: {  	_ =	shalt  }
0x5e: {  	_ =	shalt  }
0x5f: {  	_ =	shalt  }
0x60: {  	_ =	shalt  }
0x61: {  	_ =	shalt  }
0x62: {  	_ =	shalt  }
0x63: {  	_ =	shalt  }
0x64: {  	_ =	shalt  }
0x65: {  	_ =	shalt  }
0x66: {  	_ =	shalt  }
0x67: {  	_ =	shalt  }
0x68: {  	_ =	shalt  }
0x69: {  	_ =	shalt  }
0x6a: {  	_ =	shalt  }
0x6b: {  	_ =	shalt  }
0x6c: {  	_ =	shalt  }
0x6d: {  	_ =	shalt  }
0x6e: {  	_ =	shalt  }
0x6f: {  	_ =	shalt  }
0x70: {  	_ =	shalt  }
0x71: {  	_ =	shalt  }
0x72: {  	_ =	shalt  }
0x73: {  	_ =	shalt  }
0x74: {  	_ =	shalt  }
0x75: {  	_ =	shalt  }
0x76: {  	_ =	shalt  }
0x77: {  	_ =	shalt  }
0x78: {  	_ =	shalt  }
0x79: {  	_ =	shalt  }
0x7a: {  	_ =	shalt  }
0x7b: {  	_ =	shalt  }
0x7c: {  	_ =	shalt  }
0x7d: {  	_ =	shalt  }
0x7e: {  	_ =	shalt  }
0x7f: {  	_ =	shalt  }
0x80: {  	_ =	shalt  }
0x81: {  	_ =	shalt  }
0x82: {  	_ =	shalt  }
0x83: {  	_ =	shalt  }
0x84: {  	_ =	shalt  }
0x85: {  	_ =	shalt  }
0x86: {  	_ =	shalt  }
0x87: {  	_ =	shalt  }
.Lfunc_end0:
.L_simem_size_0:
called_computation.1_lowered:
.L_overlay_start_0:
0x88: {  	s2 =	sld [smem:$0x3FD9]  }
0x89: {  	s3 =	sld [smem:$0x3FFE];
	_ =	sdelay $0x1  }
0x8a: {  	s1 =	srdreg.scid  }
0x8b: {  	s0 =	sand.u32 $0x1, s1  }
0x8c: {  	s17 =	sshll.u32 s0, $0xA;
	s2 =	sadd.s32 s3, s2  }
0x8d: {  	s2 =	sadd.s32 s2, s17  }
0x8e: {  	[smem:$0x3FC0] =	sst s2  }
0x8f: {  	_ = 	snop  }
0x90: {  	s2 =	sld [smem:$0x3FD0];
	(tm) =	ssettm $0x1  }
0x91: {  	s18 =	sld [smem:$0x3FFB];
	_ =	sdelay $0x3  }
0x92: {  	_ =	strace s18  }
0x93: {  	s3 =	sld [smem:$0x3FFC];
	_ =	sdelay $0x3  }
0x94: {  	_ =	strace s3  }
0x95: {  	s3 =	sld [smem:$0x3FFD];
	_ =	sdelay $0x3  }
0x96: {  	_ =	strace s3  }
0x97: {  	_ =	strace $0x8FFFFFFF  }
0x98: {  	s19 =	sld [smem:$0x3FDB];
	_ =	sdelay $0x1  }
0x99: {  	s4 =	simm.s32 $_scs_section_size  }
0x9a: {  	s5 =	simm.s32 $_size__tile_overlayer_lowered;
	s6 =	simm.s32 $_tile_overlayer_lowered  }
0x9b: {  	s22 =	simm.s32 $0x1BFF;
	s21 =	sshll.u32 s6, $0x1;
	s3 =	sadd.s32 s4, s19  }
0x9c: {  	s7 =	simm.s32 $0x0;
	s20 =	sshll.u32 s5, $0x1;
	s5 =	sadd.s32 s21, s3  }
0x9d: {  	[timem:s7], [sflag:s22] =	dma.local [hbm:s5], s20  }
0x9e: {  	_ =	swait.ge [sflag:s22], s20  }
0x9f: {  	s4 =	ssub.s32 $0x0, s20;
	[sflag:s22] =	ssyncset.done $0x0  }
0xa0: {  	[sflag:s22] =	ssyncadd.s32 s4;
	_ =	sdelay $0x1  }
0xa1: {  	s23 =	simm.s32 $0x1B8B  }
0xa2: {  	_ =	swait.ge [sflag:s23], $0x1  }
0xa3: {  	[sflag:s23] =	ssyncset.done $0x0  }
0xa4: {  	s25 =	simm.s32 $0x1B8E;
	s24 =	sld [smem:$0x3FFE];
	[sflag:s23] =	ssyncadd.s32 $0xFFFFFFFF  }
0xa5: {  	s26 =	simm.s32 $execute0_lowered;
	[smem:$0x3FD2] =	sst s25  }
0xa6: {  	s5 =	sshll.u32 s26, $0x1;
	_ =	strace $0x80000049;
	[dreg:$0x1] =	wrdreg $0xFFFFFFFF  }
0xa7: {  	s28 =	simm.s32 $_size_execute0_lowered;
	s3 =	sadd.s32 s3, s5;
	[dreg:$0x0] =	wrdreg $0x0  }
0xa8: {  	s5 =	sshll.u32 s28, $0x1;
	[dreg:$0x2] =	wrdreg s3  }
0xa9: {  	[dreg:$0x3] =	wrdreg s5  }
0xaa: {  	[dreg:$0x4] =	wrdreg $0xC0  }
0xab: {  	_ =	task [dreg:s7], $0x5FFFF  }
0xac: {  	[dreg:$0x1] =	wrdreg $0xFFFFFFFF  }
0xad: {  	[dreg:$0x0] =	wrdreg $0x60  }
0xae: {  	[dreg:$0x2] =	wrdreg s2  }
0xaf: {  	[dreg:$0x3] =	wrdreg s24  }
0xb0: {  	[dreg:$0x4] =	wrdreg $0x8F000  }
0xb1: {  	[dreg:$0x5] =	wrdreg $0x12F000  }
0xb2: {  	[dreg:$0x6] =	wrdreg $0x9  }
0xb3: {  	_ =	task.clear_ibuf [dreg:s7], $0x7FFFF;
	_ =	strace $0x90000049  }
0xb4: {  	s29 =	simm.s32 $0x9;
	_ =	strace $0x8000004B  }
0xb5: {  	_ =	swait.ge [sflag:s29], $0x1  }
0xb6: {  	[sflag:s29] =	ssyncadd.s32 $0xFFFFFFFF  }
0xb7: {  	_ =	strace $0x9000004B  }
0xb8: {  	_ =	sfence  }
0xb9: {  	s30 =	sld [smem:$0x0];
	_ =	sdelay $0x2  }
0xba: {  	s31 =	sshll.u32 s1, $0xD;
	s1 =	sshrl.u32 s1, $0x2  }
0xbb: {  	s3 =	sand.u32 $0x4000, s31;
	s1 =	sadd.s32 s1, s30  }
0xbc: {  	s0 =	sor.u32 s3, s0;
	s1 =	sshll.u32 s1, $0x11  }
0xbd: {  	s0 =	sor.u32 s1, s0  }
0xbe: {  	s0 =	sadd.s32 $0x8F2B, s0  }
0xbf: {  	[sflag:s0] =	ssyncadd.remote.s32 $0x1  }
0xc0: {  	_ =	sfence.sel $0xFFFF  }
0xc1: {  	[dreg:$0x0] =	wrdreg $0xFFFFFFFF;
	(pc) =	sbr.abs _section_cstart, $3  }
0xc2: {  	[dreg:$0x1] =	wrdreg $0xFFFFFFFF  }
0xc3: {  	_ =	task.clear_ibuf [dreg:s7], $0x2FFFF;
	_ =	strace $0x9FFFFFFF  }
0xc4: {  	(tm) =	ssettm $0x7FFFFFFF  }
0xc5: {  	_ =	shalt  }
tec
execute0_lowered:
.L_overlay_start_1:
0x0: {  	(tag) =	ssettag $0x1  }
0x1: {  	s10 =	rddreg [dreg:$0x0]  }
0x2: {  	s6 =	rddreg [dreg:$0x1]  }
0x3: {  	s2 =	rddreg [dreg:$0x2]  }
0x4: {  	s3 =	rddreg [dreg:$0x3]  }
0x5: {  	s0 =	srdreg.scid;
	s1 =	rddreg [dreg:$0x4];
	s4 =	simm.s32 $0x0  }
0x6: {  	s17 =	simm.s32 $0x1;
	s18 =	simm.s32 $0x2;
	s19 =	simm.s32 $0x3  }
0x7: {  	s20 =	simm.s32 $0x4;
	s21 =	simm.s32 $0x80;
	s5 =	sand.u32 $0x1, s0  }
0x8: {  	s22 =	simm.s32 $0x4F00;
	s0 =	stileid.u32;
	s7 =	smul.u32 $0x27800, s5  }
0x9: {  	s23 =	simm.s32 $0x6F00;
	s24 =	simm.s32 $0x5;
	s8 =	smul.u32 $0x2780, s0  }
0xa: {  	s25 =	simm.s32 $0x4E80;
	s26 =	simm.s32 $0x0;
	s11 =	smul.u32 $0x9C40, s0  }
0xb: {  	[smem:$0x7FF] =	sst s4;
	s9 =	smul.u32 $0x9C400, s5;
	s31 =	ssub.s32 $0x2, s5  }
0xc: {  	_ =	strace $0x8000004A;
	s5 =	sadd.s32 $0x64E00, s6;
	s12 =	sshrl.u32 s31, $0x1  }
0xd: {  	s7 =	sadd.s32 s8, s7;
	s30 =	sadd.s32 s11, s9;
	s12 =	ssub.s32 s31, s12  }
0xe: {  	s14 =	sadd.s32 s11, s2;
	s15 =	sshrl.u32 s11, $0x3;
	s16 =	sadd.s32 s11, s3  }
0xf: {  	s7 =	sshrl.u32 s7, $0x3;
	s8 =	sshrl.u32 s30, $0x3;
	s10 =	sadd.s32 s10, s15  }
0x10: {  	s12 =	smax.u32 s12, $0x1;
	s14 =	sshrl.u32 s14, $0x3;
	s16 =	sshrl.u32 s16, $0x3  }
0x11: {  	s7 =	sadd.s32 s7, s6;
	s13 =	sadd.s32 s8, s6;
	s8 =	sshll.u32 s0, $0x6  }
0x12: {  	s6 =	sadd.s32 $0xCC00, s7;
	s7 =	sadd.s32 $0x2A00, s7;
	s9 =	sor.u32 $0x1C03, s8  }
0x13: {  	s11 =	sadd.s32 $0x66200, s13;
	s13 =	simm.s32 $0x2780;
	s15 =	sor.u32 $0x1C04, s8  }
.LBB2_1:
0x14: {  	[tilespmem:s4], [sflag:$0x1] =	stream.linear.gather [hbm4b:s6+s4], $0x2780, $0x38;
	[tilespmem:$0x1CB40] =	vst v63  }
0x15: {  	_ = 	snop  }
0x16: {  	[tilespmem:s13], [sflag:$0x2] =	stream.linear.gather [hbm4b:s7+s4], $0x2780, $0x38;
	[tilespmem:$0x1CB40] =	vst v63  }
0x17: {  	[spmem:s14], [sflag:s9] =	dma.local [hbm:s5], $0x1388  }
0x18: {  	[spmem:s16], [sflag:s15] =	dma.local [hbm:s10], $0x1388  }
0x19: {  	_ =	swait.ge [sflag:s17], $0x2780  }
0x1a: {  	[sflag:s17] =	ssyncset.done $0x0  }
0x1b: {  	[sflag:s17] =	ssyncadd.s32 $0xFFFFD880  }
0x1c: {  	_ =	swait.ge [sflag:s18], $0x2780  }
0x1d: {  	[sflag:s18] =	ssyncset.done $0x0  }
0x1e: {  	[sflag:s18] =	ssyncadd.s32 $0xFFFFD880  }
0x1f: {  	_ =	swait.ge [sflag:s19], $0x1388  }
0x20: {  	[sflag:s19] =	ssyncset.done $0x0  }
0x21: {  	[sflag:s19] =	ssyncadd.s32 $0xFFFFEC78  }
0x22: {  	_ =	swait.ge [sflag:s20], $0x1388  }
0x23: {  	[sflag:s20] =	ssyncset.done $0x0  }
0x24: {  	[sflag:s20] =	ssyncadd.s32 $0xFFFFEC78  }
0x25: {  	[bflag:$0x0] =	sbarrier.arrive $0xFFFF  }
0x26: {  	[tilespmem:s22], [sflag:$0x1] =	stream.indirect.gather [spmem:s3], $0x40, s4, s21, $0xb8;
	[tilespmem:$0x1CB40] =	vst v63  }
0x27: {  	_ =	swait.ge [sflag:s17], $0x2000  }
0x28: {  	[sflag:s17] =	ssyncset.done $0x0  }
0x29: {  	s28 =	simm.s32 $0x80;
	[sflag:s17] =	ssyncadd.s32 $0xFFFFE000  }
0x2a: {  	[tilespmem:s23], [sflag:$0x2] =	stream.indirect.gather [spmem:s3], $0x40, s28, s21, $0xb8;
	[tilespmem:$0x1CB40] =	vst v63  }
0x2b: {  	s28 =	simm.s32 $0x2780  }
0x2c: {  	[spmem:s2] =	stream.indirect.scatter.add.f32 [tilespmem:s22], [sflag:$0x5], $0x40, s28, s21, $0xb8;
	[tilespmem:$0x1CB40] =	vst v63  }
0x2d: {  	_ =	swait.ge [sflag:s24], $0x2000  }
0x2e: {  	[sflag:s24] =	ssyncset.done $0x0  }
0x2f: {  	[sflag:s24] =	ssyncadd.s32 $0xFFFFE000  }
0x30: {  	_ =	swait.ge [sflag:s18], $0x2000  }
0x31: {  	[sflag:s18] =	ssyncset.done $0x0  }
0x32: {  	s28 =	simm.s32 $0x100;
	[sflag:s18] =	ssyncadd.s32 $0xFFFFE000  }
0x33: {  	[tilespmem:s22], [sflag:$0x1] =	stream.indirect.gather [spmem:s3], $0x40, s28, s21, $0xb8;
	[tilespmem:$0x1CB40] =	vst v63  }
0x34: {  	s28 =	simm.s32 $0x2800  }
0x35: {  	[spmem:s2] =	stream.indirect.scatter.add.f32 [tilespmem:s23], [sflag:$0x5], $0x40, s28, s21, $0xb8;
	[tilespmem:$0x1CB40] =	vst v63  }
0x36: {  	_ =	swait.ge [sflag:s24], $0x2000  }
0x37: {  	s28 =	simm.s32 $0x400;
	[sflag:s24] =	ssyncset.done $0x0  }
.LBB2_2:
0x38: {  	p0 =	sne.s32 s28, $0x9800  }
0x39: {  	[sflag:s24] =	ssyncadd.s32 $0xFFFFE000;
	s29 =	smov.u32 s28;
	s28 =	sadd.s32 $0x400, s28  }
0x3a: {  	_ = 	snop  }
0x3b: {  	_ =	swait.ge [sflag:s17], $0x2000  }
0x3c: {  	s29 =	sshra.s32 s29, $0x2;
	[sflag:s17] =	ssyncset.done $0x0  }
0x3d: {  	s30 =	sadd.s32 $0x80, s29;
	[sflag:s17] =	ssyncadd.s32 $0xFFFFE000  }
0x3e: {  	[tilespmem:s23], [sflag:$0x2] =	stream.indirect.gather [spmem:s3], $0x40, s30, s21, $0xb8;
	[tilespmem:$0x1CB40] =	vst v63  }
0x3f: {  	s30 =	sadd.s32 $0x2780, s29  }
0x40: {  	[spmem:s2] =	stream.indirect.scatter.add.f32 [tilespmem:s22], [sflag:$0x5], $0x40, s30, s21, $0xb8;
	[tilespmem:$0x1CB40] =	vst v63  }
0x41: {  	_ =	swait.ge [sflag:s24], $0x2000  }
0x42: {  	[sflag:s24] =	ssyncset.done $0x0  }
0x43: {  	[sflag:s24] =	ssyncadd.s32 $0xFFFFE000  }
0x44: {  	_ =	swait.ge [sflag:s18], $0x2000  }
0x45: {  	[sflag:s18] =	ssyncset.done $0x0  }
0x46: {  	s30 =	sadd.s32 $0x100, s29;
	[sflag:s18] =	ssyncadd.s32 $0xFFFFE000  }
0x47: {  	[tilespmem:s22], [sflag:$0x1] =	stream.indirect.gather [spmem:s3], $0x40, s30, s21, $0xb8;
	[tilespmem:$0x1CB40] =	vst v63  }
.Ltmp0:
0x48: {  	_ = 	snop;
	(pc) =	sbr.rel @p0 .LBB2_2-.Ltmp0, $4  }
0x49: {  	s29 =	sadd.s32 $0x2800, s29  }
0x4a: {  	[spmem:s2] =	stream.indirect.scatter.add.f32 [tilespmem:s23], [sflag:$0x5], $0x40, s29, s21, $0xb8;
	[tilespmem:$0x1CB40] =	vst v63  }
0x4b: {  	_ =	swait.ge [sflag:s24], $0x2000  }
0x4c: {  	[sflag:s24] =	ssyncset.done $0x0  }
0x4d: {  	[sflag:s24] =	ssyncadd.s32 $0xFFFFE000  }
0x4e: {  	_ =	swait.ge [sflag:s17], $0x2000  }
0x4f: {  	[sflag:s17] =	ssyncset.done $0x0  }
0x50: {  	[sflag:s17] =	ssyncadd.s32 $0xFFFFE000  }
0x51: {  	[spmem:s2] =	stream.indirect.scatter.add.f32 [tilespmem:s22], [sflag:$0x5], $0x40, s25, s21, $0xb8;
	[tilespmem:$0x1CB40] =	vst v63  }
0x52: {  	_ =	swait.ge [sflag:s24], $0x2000  }
0x53: {  	s26 =	sadd.s32 $0x1, s26;
	[sflag:s24] =	ssyncset.done $0x0  }
0x54: {  	p0 =	sne.s32 s26, s12;
	[sflag:s24] =	ssyncadd.s32 $0xFFFFE000  }
.Ltmp1:
0x55: {  	s28 =	sor.u32 $0x1C05, s8;
	[bflag:$0x0] =	sbarrier.arrive $0xFFFF;
	(pc) =	sbr.rel @p0 .LBB2_1-.Ltmp1, $4  }
0x56: {  	[hbm:s11], [sflag:s28] =	dma.local [spmem:s14], $0x1388  }
0x57: {  	_ =	swait.ge [sflag:s24], $0x1388  }
0x58: {  	[sflag:s24] =	ssyncset.done $0x0  }
0x59: {  	[sflag:s24] =	ssyncadd.s32 $0xFFFFEC78  }
0x5a: {  	_ =	sfence.sel $0x180000  }
0x5b: {  	[bflag:$0x0] =	sbarrier.arrive $0xFFFF  }
0x5c: {  	p0 =	sne.s32 s0, $0x0;
	_ =	strace $0x9000004A  }
0x5d: {  	s0 =	sadd.s32 @!p0 $0x100000, s1;
	[bflag:$0x2] =	sbarrier.arrive $0xFFFF  }
0x5e: {  	[sflag:s0] =	ssyncadd.tile.s32 @!p0 $0x1;
	_ =	shalt  }
.Lfunc_end2:
_tile_overlayer_lowered:
.L_overlay_start_2:
0x5f: {  	(tag) =	ssettag $0x2  }
0x60: {  	s0 =	rddreg [dreg:$0x0];
	s2 =	stileid.u32  }
0x61: {  	s1 =	rddreg [dreg:$0x1];
	p0 =	sne.s32 s2, $0x0  }
0x62: {  	s3 =	rddreg [dreg:$0x2];
	[bflag:$0x3] =	sbarrier.arrive $0xFFFF;
	s2 =	simm.s32 @!p0 $0x1C05  }
0x63: {  	[timem:s3], [sflag:s2] =	dma.local @!p0 [hbm:s0], s1  }
0x64: {  	s0 =	simm.s32 @!p0 $0x5  }
0x65: {  	_ =	swait.ge @!p0 [sflag:s0], s1  }
0x66: {  	s1 =	ssub.s32 @!p0 $0x0, s1;
	[sflag:s0] =	ssyncset.done @!p0 $0x0  }
0x67: {  	[sflag:s0] =	ssyncadd.s32 @!p0 s1  }
0x68: {  	[bflag:$0x3] =	sbarrier.arrive $0xFFFF  }
0x69: {  	_ =	shalt  }

// kernel: kernel.16.cloned.1.call-start
scs
__scs_entry_jumppad:
0x0: {  	(pc) =	sbr.rel $0x88, $3  }
0x1: {  	(tag) =	ssettag $0x0;
	lr =	simm.s32 $0x1  }
0x2: {  	[smem:$0x3F99] =	sst lr;
	_ =	strace $0xD0000000  }
0x3: {  	_ = 	snop  }
0x4: {  	_ = 	snop  }
0x5: {  	_ = 	snop  }
0x6: {  	_ = 	snop  }
0x7: {  	_ = 	snop  }
__scs_overlays_trampoline_lowered:
0x8: {  	[smem:$0x3FA8] =	sst s0  }
0x9: {  	[smem:$0x3FA9] =	sst s1  }
0xa: {  	[smem:$0x3FAA] =	sst s2  }
0xb: {  	[smem:$0x3FAB] =	sst s3  }
0xc: {  	[smem:$0x3FAC] =	sst s4  }
0xd: {  	[smem:$0x3FAD] =	sst s5  }
0xe: {  	[smem:$0x3FAE] =	sst s6  }
0xf: {  	[smem:$0x3FAF] =	sst s7  }
0x10: {  	[smem:$0x3FB0] =	sst s8  }
0x11: {  	[smem:$0x3FB1] =	sst s9;
	s0 =	simm.s32 @!p0 $0x0  }
0x12: {  	s1 =	sld [smem:$0x3F97];
	s0 =	simm.s32 @p0 $0x1  }
0x13: {  	[smem:$0x3FB2] =	sst s0;
	s0 =	simm.s32 @!p1 $0x0  }
0x14: {  	s2 =	sld [smem:$0x3F96];
	s0 =	simm.s32 @p1 $0x1  }
0x15: {  	[smem:$0x3FB3] =	sst s0;
	s0 =	simm.s32 @!p2 $0x0  }
0x16: {  	s3 =	sld [smem:$0x3FDB];
	s0 =	simm.s32 @p2 $0x1  }
0x17: {  	s4 =	simm.s32 $0x1BF5;
	[smem:$0x3FB5] =	sst s0  }
0x18: {  	s0 =	sld [smem:$0x3F98];
	_ =	swait.ge [sflag:s4], $0x0  }
0x19: {  	s7 =	sld [smem:$0x3F99]  }
0x1a: {  	s8 =	sadd.s32 $0xFFFFE003, lr  }
0x1b: {  	s9 =	sadd.s32 $0xFFFFFEF7, lr;
	s5 =	simm.s32 $0xFFFFFFFF;
	p2 =	slt.u32 s8, $0xFFFFF086  }
0x1c: {  	p1 =	slt.u32 s9, $0xF7A;
	s5 =	simm.s32 @!p2 $0x0  }
0x1d: {  	s5 =	simm.s32 @p1 $0x1;
	p0 =	seq.s32 s7, s2  }
0x1e: {  	s7 =	smul.u32 @!p0 $0xF7A, s2;
	p2 =	seq.s32 @!p0 s5, $0x0  }
0x1f: {  	s9 =	smul.u32 $0xF7A, s1;
	s8 =	simm.s32 @!p0 $0x1BF5;
	p2 =	por !p2, p0  }
0x20: {  	[sflag:s8] =	ssyncset.s32 @!p0 $0xFFFFF086;
	s6 =	sadd.s32 @!p0 s3, s7;
	s7 =	simm.s32 @!p0 $0x108  }
0x21: {  	s3 =	sadd.s32 s3, s9;
	s6 =	sadd.s32 @!p0 $0x88, s6;
	s7 =	simm.s32 @p2 $0x1082  }
0x22: {  	[simem:s7], [sflag:s8] =	dma.local @!p0 [hbm:s6], $0xF7A  }
0x23: {  	s9 =	sor.u32 $0xD0000000, s2;
	s6 =	simm.s32 $0x108;
	_ =	swait.ge @!p0 [sflag:s8], $0x0  }
0x24: {  	s3 =	sadd.s32 $0x88, s3;
	s6 =	simm.s32 @!p1 $0x1082;
	[sflag:s4] =	ssyncset.s32 $0xFFFFF086  }
0x25: {  	[simem:s6], [sflag:s4] =	dma.local [hbm:s3], $0xF7A  }
0x26: {  	[smem:$0x3F99] =	sst s1;
	(tag) =	ssettag s2;
	_ =	strace s9  }
0x27: {  	s1 =	sld [smem:$0x3FA9]  }
0x28: {  	s2 =	sld [smem:$0x3FAA]  }
0x29: {  	s4 =	sld [smem:$0x3FAC]  }
0x2a: {  	p0 =	seq.s32 s5, $0x0;
	s5 =	sld [smem:$0x3FAD]  }
0x2b: {  	s6 =	sld [smem:$0x3FAE]  }
0x2c: {  	s7 =	sld [smem:$0x3FAF]  }
0x2d: {  	s3 =	simm.s32 $0x108;
	s8 =	sld [smem:$0x3FB0]  }
0x2e: {  	s3 =	simm.s32 @!p0 $0x1082;
	s9 =	sld [smem:$0x3FB1]  }
0x2f: {  	lr =	sadd.s32 s0, s3;
	s0 =	sld [smem:$0x3FA8]  }
0x30: {  	s3 =	sld [smem:$0x3FAB]  }
0x31: {  	[smem:$0x3FB4] =	sst s10  }
0x32: {  	s10 =	sld [smem:$0x3FB2];
	_ =	sdelay $0x3  }
0x33: {  	p0 =	seq.s32 s10, $0x1;
	s10 =	sld [smem:$0x3FB4];
	_ =	sdelay $0x3  }
0x34: {  	[smem:$0x3FB4] =	sst s10  }
0x35: {  	s10 =	sld [smem:$0x3FB3];
	_ =	sdelay $0x3  }
0x36: {  	p1 =	seq.s32 s10, $0x1;
	s10 =	sld [smem:$0x3FB4];
	_ =	sdelay $0x3  }
0x37: {  	[smem:$0x3FB4] =	sst s10  }
0x38: {  	s10 =	sld [smem:$0x3FB5]  }
0x39: {  	_ = 	snop;
	(pc) =	sbr.ind lr, $3  }
0x3a: {  	_ = 	snop  }
0x3b: {  	_ = 	snop  }
0x3c: {  	p2 =	seq.s32 s10, $0x1;
	s10 =	sld [smem:$0x3FB4]  }
0x3d: {  	_ =	shalt  }
0x3e: {  	_ =	shalt  }
0x3f: {  	_ =	shalt  }
0x40: {  	_ =	shalt  }
0x41: {  	_ =	shalt  }
0x42: {  	_ =	shalt  }
0x43: {  	_ =	shalt  }
0x44: {  	_ =	shalt  }
0x45: {  	_ =	shalt  }
0x46: {  	_ =	shalt  }
0x47: {  	_ =	shalt  }
0x48: {  	_ =	shalt  }
0x49: {  	_ =	shalt  }
0x4a: {  	_ =	shalt  }
0x4b: {  	_ =	shalt  }
0x4c: {  	_ =	shalt  }
0x4d: {  	_ =	shalt  }
0x4e: {  	_ =	shalt  }
0x4f: {  	_ =	shalt  }
0x50: {  	_ =	shalt  }
0x51: {  	_ =	shalt  }
0x52: {  	_ =	shalt  }
0x53: {  	_ =	shalt  }
0x54: {  	_ =	shalt  }
0x55: {  	_ =	shalt  }
0x56: {  	_ =	shalt  }
0x57: {  	_ =	shalt  }
0x58: {  	_ =	shalt  }
0x59: {  	_ =	shalt  }
0x5a: {  	_ =	shalt  }
0x5b: {  	_ =	shalt  }
0x5c: {  	_ =	shalt  }
0x5d: {  	_ =	shalt  }
0x5e: {  	_ =	shalt  }
0x5f: {  	_ =	shalt  }
0x60: {  	_ =	shalt  }
0x61: {  	_ =	shalt  }
0x62: {  	_ =	shalt  }
0x63: {  	_ =	shalt  }
0x64: {  	_ =	shalt  }
0x65: {  	_ =	shalt  }
0x66: {  	_ =	shalt  }
0x67: {  	_ =	shalt  }
0x68: {  	_ =	shalt  }
0x69: {  	_ =	shalt  }
0x6a: {  	_ =	shalt  }
0x6b: {  	_ =	shalt  }
0x6c: {  	_ =	shalt  }
0x6d: {  	_ =	shalt  }
0x6e: {  	_ =	shalt  }
0x6f: {  	_ =	shalt  }
0x70: {  	_ =	shalt  }
0x71: {  	_ =	shalt  }
0x72: {  	_ =	shalt  }
0x73: {  	_ =	shalt  }
0x74: {  	_ =	shalt  }
0x75: {  	_ =	shalt  }
0x76: {  	_ =	shalt  }
0x77: {  	_ =	shalt  }
0x78: {  	_ =	shalt  }
0x79: {  	_ =	shalt  }
0x7a: {  	_ =	shalt  }
0x7b: {  	_ =	shalt  }
0x7c: {  	_ =	shalt  }
0x7d: {  	_ =	shalt  }
0x7e: {  	_ =	shalt  }
0x7f: {  	_ =	shalt  }
0x80: {  	_ =	shalt  }
0x81: {  	_ =	shalt  }
0x82: {  	_ =	shalt  }
0x83: {  	_ =	shalt  }
0x84: {  	_ =	shalt  }
0x85: {  	_ =	shalt  }
0x86: {  	_ =	shalt  }
0x87: {  	_ =	shalt  }
.Lfunc_end0:
.L_simem_size_0:
called_computation.2_lowered:
.L_overlay_start_0:
0x88: {  	s2 =	sld [smem:$0x3FD9]  }
0x89: {  	s3 =	sld [smem:$0x3FFE];
	_ =	sdelay $0x1  }
0x8a: {  	s1 =	srdreg.scid  }
0x8b: {  	s0 =	sand.u32 $0x1, s1  }
0x8c: {  	s17 =	sshll.u32 s0, $0xA;
	s2 =	sadd.s32 s3, s2  }
0x8d: {  	s2 =	sadd.s32 s2, s17  }
0x8e: {  	[smem:$0x3FC0] =	sst s2  }
0x8f: {  	_ = 	snop  }
0x90: {  	s2 =	sld [smem:$0x3FD0];
	(tm) =	ssettm $0x1  }
0x91: {  	s18 =	sld [smem:$0x3FFB];
	_ =	sdelay $0x3  }
0x92: {  	_ =	strace s18  }
0x93: {  	s3 =	sld [smem:$0x3FFC];
	_ =	sdelay $0x3  }
0x94: {  	_ =	strace s3  }
0x95: {  	s3 =	sld [smem:$0x3FFD];
	_ =	sdelay $0x3  }
0x96: {  	_ =	strace s3  }
0x97: {  	_ =	strace $0x8FFFFFFF  }
0x98: {  	s19 =	sld [smem:$0x3FDB];
	_ =	sdelay $0x1  }
0x99: {  	s4 =	simm.s32 $_scs_section_size  }
0x9a: {  	s5 =	simm.s32 $_size__tile_overlayer_lowered;
	s6 =	simm.s32 $_tile_overlayer_lowered  }
0x9b: {  	s22 =	simm.s32 $0x1BFF;
	s21 =	sshll.u32 s6, $0x1;
	s3 =	sadd.s32 s4, s19  }
0x9c: {  	s7 =	simm.s32 $0x0;
	s20 =	sshll.u32 s5, $0x1;
	s5 =	sadd.s32 s21, s3  }
0x9d: {  	[timem:s7], [sflag:s22] =	dma.local [hbm:s5], s20  }
0x9e: {  	_ =	swait.ge [sflag:s22], s20  }
0x9f: {  	s4 =	ssub.s32 $0x0, s20;
	[sflag:s22] =	ssyncset.done $0x0  }
0xa0: {  	[sflag:s22] =	ssyncadd.s32 s4;
	_ =	sdelay $0x1  }
0xa1: {  	s23 =	simm.s32 $0x1B8B  }
0xa2: {  	_ =	swait.ge [sflag:s23], $0x1  }
0xa3: {  	[sflag:s23] =	ssyncset.done $0x0  }
0xa4: {  	s25 =	simm.s32 $0x1B8E;
	s24 =	sld [smem:$0x3FFE];
	[sflag:s23] =	ssyncadd.s32 $0xFFFFFFFF  }
0xa5: {  	s26 =	simm.s32 $execute0_lowered;
	[smem:$0x3FD2] =	sst s25  }
0xa6: {  	s5 =	sshll.u32 s26, $0x1;
	_ =	strace $0x8000004C;
	[dreg:$0x1] =	wrdreg $0xFFFFFFFF  }
0xa7: {  	s28 =	simm.s32 $_size_execute0_lowered;
	s3 =	sadd.s32 s3, s5;
	[dreg:$0x0] =	wrdreg $0x0  }
0xa8: {  	s5 =	sshll.u32 s28, $0x1;
	[dreg:$0x2] =	wrdreg s3  }
0xa9: {  	[dreg:$0x3] =	wrdreg s5  }
0xaa: {  	[dreg:$0x4] =	wrdreg $0xC0  }
0xab: {  	_ =	task [dreg:s7], $0x5FFFF  }
0xac: {  	[dreg:$0x1] =	wrdreg $0xFFFFFFFF  }
0xad: {  	[dreg:$0x0] =	wrdreg $0x60  }
0xae: {  	[dreg:$0x2] =	wrdreg s2  }
0xaf: {  	[dreg:$0x3] =	wrdreg s24  }
0xb0: {  	[dreg:$0x4] =	wrdreg $0x8F000  }
0xb1: {  	[dreg:$0x5] =	wrdreg $0x12F000  }
0xb2: {  	[dreg:$0x6] =	wrdreg $0x9  }
0xb3: {  	_ =	task.clear_ibuf [dreg:s7], $0x7FFFF;
	_ =	strace $0x9000004C  }
0xb4: {  	s29 =	simm.s32 $0x9;
	_ =	strace $0x8000004E  }
0xb5: {  	_ =	swait.ge [sflag:s29], $0x1  }
0xb6: {  	[sflag:s29] =	ssyncadd.s32 $0xFFFFFFFF  }
0xb7: {  	_ =	strace $0x9000004E  }
0xb8: {  	_ =	sfence  }
0xb9: {  	s30 =	sld [smem:$0x0];
	_ =	sdelay $0x2  }
0xba: {  	s31 =	sshll.u32 s1, $0xD;
	s1 =	sshrl.u32 s1, $0x2  }
0xbb: {  	s3 =	sand.u32 $0x4000, s31;
	s1 =	sadd.s32 s1, s30  }
0xbc: {  	s0 =	sor.u32 s3, s0;
	s1 =	sshll.u32 s1, $0x11  }
0xbd: {  	s0 =	sor.u32 s1, s0  }
0xbe: {  	s0 =	sadd.s32 $0x8F2B, s0  }
0xbf: {  	[sflag:s0] =	ssyncadd.remote.s32 $0x1  }
0xc0: {  	_ =	sfence.sel $0xFFFF  }
0xc1: {  	[dreg:$0x0] =	wrdreg $0xFFFFFFFF;
	(pc) =	sbr.abs _section_cstart, $3  }
0xc2: {  	[dreg:$0x1] =	wrdreg $0xFFFFFFFF  }
0xc3: {  	_ =	task.clear_ibuf [dreg:s7], $0x2FFFF;
	_ =	strace $0x9FFFFFFF  }
0xc4: {  	(tm) =	ssettm $0x7FFFFFFF  }
0xc5: {  	_ =	shalt  }
tec
execute0_lowered:
.L_overlay_start_1:
0x0: {  	(tag) =	ssettag $0x1  }
0x1: {  	s10 =	rddreg [dreg:$0x0]  }
0x2: {  	s6 =	rddreg [dreg:$0x1]  }
0x3: {  	s2 =	rddreg [dreg:$0x2]  }
0x4: {  	s3 =	rddreg [dreg:$0x3]  }
0x5: {  	s0 =	srdreg.scid;
	s1 =	rddreg [dreg:$0x4];
	s4 =	simm.s32 $0x0  }
0x6: {  	s17 =	simm.s32 $0x1;
	s18 =	simm.s32 $0x2;
	s19 =	simm.s32 $0x3  }
0x7: {  	s20 =	simm.s32 $0x4;
	s21 =	simm.s32 $0x80;
	s5 =	sand.u32 $0x1, s0  }
0x8: {  	s22 =	simm.s32 $0x4F00;
	s0 =	stileid.u32;
	s7 =	smul.u32 $0x27800, s5  }
0x9: {  	s23 =	simm.s32 $0x6F00;
	s24 =	simm.s32 $0x5;
	s8 =	smul.u32 $0x2780, s0  }
0xa: {  	s25 =	simm.s32 $0x4E80;
	s26 =	simm.s32 $0x0;
	s11 =	smul.u32 $0x9C40, s0  }
0xb: {  	[smem:$0x7FF] =	sst s4;
	s9 =	smul.u32 $0x9C400, s5;
	s31 =	ssub.s32 $0x2, s5  }
0xc: {  	_ =	strace $0x8000004D;
	s5 =	sadd.s32 $0x64E00, s6;
	s12 =	sshrl.u32 s31, $0x1  }
0xd: {  	s7 =	sadd.s32 s8, s7;
	s30 =	sadd.s32 s11, s9;
	s12 =	ssub.s32 s31, s12  }
0xe: {  	s14 =	sadd.s32 s11, s2;
	s15 =	sshrl.u32 s11, $0x3;
	s16 =	sadd.s32 s11, s3  }
0xf: {  	s7 =	sshrl.u32 s7, $0x3;
	s8 =	sshrl.u32 s30, $0x3;
	s10 =	sadd.s32 s10, s15  }
0x10: {  	s12 =	smax.u32 s12, $0x1;
	s14 =	sshrl.u32 s14, $0x3;
	s16 =	sshrl.u32 s16, $0x3  }
0x11: {  	s7 =	sadd.s32 s7, s6;
	s13 =	sadd.s32 s8, s6;
	s8 =	sshll.u32 s0, $0x6  }
0x12: {  	s6 =	sadd.s32 $0xCC00, s7;
	s7 =	sadd.s32 $0x2A00, s7;
	s9 =	sor.u32 $0x1C03, s8  }
0x13: {  	s11 =	sadd.s32 $0x3DC00, s13;
	s13 =	simm.s32 $0x2780;
	s15 =	sor.u32 $0x1C04, s8  }
.LBB2_1:
0x14: {  	[tilespmem:s4], [sflag:$0x1] =	stream.linear.gather [hbm4b:s6+s4], $0x2780, $0x38;
	[tilespmem:$0x1CB40] =	vst v63  }
0x15: {  	_ = 	snop  }
0x16: {  	[tilespmem:s13], [sflag:$0x2] =	stream.linear.gather [hbm4b:s7+s4], $0x2780, $0x38;
	[tilespmem:$0x1CB40] =	vst v63  }
0x17: {  	[spmem:s14], [sflag:s9] =	dma.local [hbm:s5], $0x1388  }
0x18: {  	[spmem:s16], [sflag:s15] =	dma.local [hbm:s10], $0x1388  }
0x19: {  	_ =	swait.ge [sflag:s17], $0x2780  }
0x1a: {  	[sflag:s17] =	ssyncset.done $0x0  }
0x1b: {  	[sflag:s17] =	ssyncadd.s32 $0xFFFFD880  }
0x1c: {  	_ =	swait.ge [sflag:s18], $0x2780  }
0x1d: {  	[sflag:s18] =	ssyncset.done $0x0  }
0x1e: {  	[sflag:s18] =	ssyncadd.s32 $0xFFFFD880  }
0x1f: {  	_ =	swait.ge [sflag:s19], $0x1388  }
0x20: {  	[sflag:s19] =	ssyncset.done $0x0  }
0x21: {  	[sflag:s19] =	ssyncadd.s32 $0xFFFFEC78  }
0x22: {  	_ =	swait.ge [sflag:s20], $0x1388  }
0x23: {  	[sflag:s20] =	ssyncset.done $0x0  }
0x24: {  	[sflag:s20] =	ssyncadd.s32 $0xFFFFEC78  }
0x25: {  	[bflag:$0x0] =	sbarrier.arrive $0xFFFF  }
0x26: {  	[tilespmem:s22], [sflag:$0x1] =	stream.indirect.gather [spmem:s3], $0x40, s4, s21, $0xb8;
	[tilespmem:$0x1CB40] =	vst v63  }
0x27: {  	_ =	swait.ge [sflag:s17], $0x2000  }
0x28: {  	[sflag:s17] =	ssyncset.done $0x0  }
0x29: {  	s28 =	simm.s32 $0x80;
	[sflag:s17] =	ssyncadd.s32 $0xFFFFE000  }
0x2a: {  	[tilespmem:s23], [sflag:$0x2] =	stream.indirect.gather [spmem:s3], $0x40, s28, s21, $0xb8;
	[tilespmem:$0x1CB40] =	vst v63  }
0x2b: {  	s28 =	simm.s32 $0x2780  }
0x2c: {  	[spmem:s2] =	stream.indirect.scatter.add.f32 [tilespmem:s22], [sflag:$0x5], $0x40, s28, s21, $0xb8;
	[tilespmem:$0x1CB40] =	vst v63  }
0x2d: {  	_ =	swait.ge [sflag:s24], $0x2000  }
0x2e: {  	[sflag:s24] =	ssyncset.done $0x0  }
0x2f: {  	[sflag:s24] =	ssyncadd.s32 $0xFFFFE000  }
0x30: {  	_ =	swait.ge [sflag:s18], $0x2000  }
0x31: {  	[sflag:s18] =	ssyncset.done $0x0  }
0x32: {  	s28 =	simm.s32 $0x100;
	[sflag:s18] =	ssyncadd.s32 $0xFFFFE000  }
0x33: {  	[tilespmem:s22], [sflag:$0x1] =	stream.indirect.gather [spmem:s3], $0x40, s28, s21, $0xb8;
	[tilespmem:$0x1CB40] =	vst v63  }
0x34: {  	s28 =	simm.s32 $0x2800  }
0x35: {  	[spmem:s2] =	stream.indirect.scatter.add.f32 [tilespmem:s23], [sflag:$0x5], $0x40, s28, s21, $0xb8;
	[tilespmem:$0x1CB40] =	vst v63  }
0x36: {  	_ =	swait.ge [sflag:s24], $0x2000  }
0x37: {  	s28 =	simm.s32 $0x400;
	[sflag:s24] =	ssyncset.done $0x0  }
.LBB2_2:
0x38: {  	p0 =	sne.s32 s28, $0x9800  }
0x39: {  	[sflag:s24] =	ssyncadd.s32 $0xFFFFE000;
	s29 =	smov.u32 s28;
	s28 =	sadd.s32 $0x400, s28  }
0x3a: {  	_ = 	snop  }
0x3b: {  	_ =	swait.ge [sflag:s17], $0x2000  }
0x3c: {  	s29 =	sshra.s32 s29, $0x2;
	[sflag:s17] =	ssyncset.done $0x0  }
0x3d: {  	s30 =	sadd.s32 $0x80, s29;
	[sflag:s17] =	ssyncadd.s32 $0xFFFFE000  }
0x3e: {  	[tilespmem:s23], [sflag:$0x2] =	stream.indirect.gather [spmem:s3], $0x40, s30, s21, $0xb8;
	[tilespmem:$0x1CB40] =	vst v63  }
0x3f: {  	s30 =	sadd.s32 $0x2780, s29  }
0x40: {  	[spmem:s2] =	stream.indirect.scatter.add.f32 [tilespmem:s22], [sflag:$0x5], $0x40, s30, s21, $0xb8;
	[tilespmem:$0x1CB40] =	vst v63  }
0x41: {  	_ =	swait.ge [sflag:s24], $0x2000  }
0x42: {  	[sflag:s24] =	ssyncset.done $0x0  }
0x43: {  	[sflag:s24] =	ssyncadd.s32 $0xFFFFE000  }
0x44: {  	_ =	swait.ge [sflag:s18], $0x2000  }
0x45: {  	[sflag:s18] =	ssyncset.done $0x0  }
0x46: {  	s30 =	sadd.s32 $0x100, s29;
	[sflag:s18] =	ssyncadd.s32 $0xFFFFE000  }
0x47: {  	[tilespmem:s22], [sflag:$0x1] =	stream.indirect.gather [spmem:s3], $0x40, s30, s21, $0xb8;
	[tilespmem:$0x1CB40] =	vst v63  }
.Ltmp0:
0x48: {  	_ = 	snop;
	(pc) =	sbr.rel @p0 .LBB2_2-.Ltmp0, $4  }
0x49: {  	s29 =	sadd.s32 $0x2800, s29  }
0x4a: {  	[spmem:s2] =	stream.indirect.scatter.add.f32 [tilespmem:s23], [sflag:$0x5], $0x40, s29, s21, $0xb8;
	[tilespmem:$0x1CB40] =	vst v63  }
0x4b: {  	_ =	swait.ge [sflag:s24], $0x2000  }
0x4c: {  	[sflag:s24] =	ssyncset.done $0x0  }
0x4d: {  	[sflag:s24] =	ssyncadd.s32 $0xFFFFE000  }
0x4e: {  	_ =	swait.ge [sflag:s17], $0x2000  }
0x4f: {  	[sflag:s17] =	ssyncset.done $0x0  }
0x50: {  	[sflag:s17] =	ssyncadd.s32 $0xFFFFE000  }
0x51: {  	[spmem:s2] =	stream.indirect.scatter.add.f32 [tilespmem:s22], [sflag:$0x5], $0x40, s25, s21, $0xb8;
	[tilespmem:$0x1CB40] =	vst v63  }
0x52: {  	_ =	swait.ge [sflag:s24], $0x2000  }
0x53: {  	s26 =	sadd.s32 $0x1, s26;
	[sflag:s24] =	ssyncset.done $0x0  }
0x54: {  	p0 =	sne.s32 s26, s12;
	[sflag:s24] =	ssyncadd.s32 $0xFFFFE000  }
.Ltmp1:
0x55: {  	s28 =	sor.u32 $0x1C05, s8;
	[bflag:$0x0] =	sbarrier.arrive $0xFFFF;
	(pc) =	sbr.rel @p0 .LBB2_1-.Ltmp1, $4  }
0x56: {  	[hbm:s11], [sflag:s28] =	dma.local [spmem:s14], $0x1388  }
0x57: {  	_ =	swait.ge [sflag:s24], $0x1388  }
0x58: {  	[sflag:s24] =	ssyncset.done $0x0  }
0x59: {  	[sflag:s24] =	ssyncadd.s32 $0xFFFFEC78  }
0x5a: {  	_ =	sfence.sel $0x180000  }
0x5b: {  	[bflag:$0x0] =	sbarrier.arrive $0xFFFF  }
0x5c: {  	p0 =	sne.s32 s0, $0x0;
	_ =	strace $0x9000004D  }
0x5d: {  	s0 =	sadd.s32 @!p0 $0x100000, s1;
	[bflag:$0x2] =	sbarrier.arrive $0xFFFF  }
0x5e: {  	[sflag:s0] =	ssyncadd.tile.s32 @!p0 $0x1;
	_ =	shalt  }
.Lfunc_end2:
_tile_overlayer_lowered:
.L_overlay_start_2:
0x5f: {  	(tag) =	ssettag $0x2  }
0x60: {  	s0 =	rddreg [dreg:$0x0];
	s2 =	stileid.u32  }
0x61: {  	s1 =	rddreg [dreg:$0x1];
	p0 =	sne.s32 s2, $0x0  }
0x62: {  	s3 =	rddreg [dreg:$0x2];
	[bflag:$0x3] =	sbarrier.arrive $0xFFFF;
	s2 =	simm.s32 @!p0 $0x1C05  }
0x63: {  	[timem:s3], [sflag:s2] =	dma.local @!p0 [hbm:s0], s1  }
0x64: {  	s0 =	simm.s32 @!p0 $0x5  }
0x65: {  	_ =	swait.ge @!p0 [sflag:s0], s1  }
0x66: {  	s1 =	ssub.s32 @!p0 $0x0, s1;
	[sflag:s0] =	ssyncset.done @!p0 $0x0  }
0x67: {  	[sflag:s0] =	ssyncadd.s32 @!p0 s1  }
0x68: {  	[bflag:$0x3] =	sbarrier.arrive $0xFFFF  }
0x69: {  	_ =	shalt  }

// kernel: kernel.19.cloned.1.call-start
scs
__scs_entry_jumppad:
0x0: {  	(pc) =	sbr.rel $0x88, $3  }
0x1: {  	(tag) =	ssettag $0x0;
	lr =	simm.s32 $0x1  }
0x2: {  	[smem:$0x3F99] =	sst lr;
	_ =	strace $0xD0000000  }
0x3: {  	_ = 	snop  }
0x4: {  	_ = 	snop  }
0x5: {  	_ = 	snop  }
0x6: {  	_ = 	snop  }
0x7: {  	_ = 	snop  }
__scs_overlays_trampoline_lowered:
0x8: {  	[smem:$0x3FA8] =	sst s0  }
0x9: {  	[smem:$0x3FA9] =	sst s1  }
0xa: {  	[smem:$0x3FAA] =	sst s2  }
0xb: {  	[smem:$0x3FAB] =	sst s3  }
0xc: {  	[smem:$0x3FAC] =	sst s4  }
0xd: {  	[smem:$0x3FAD] =	sst s5  }
0xe: {  	[smem:$0x3FAE] =	sst s6  }
0xf: {  	[smem:$0x3FAF] =	sst s7  }
0x10: {  	[smem:$0x3FB0] =	sst s8  }
0x11: {  	[smem:$0x3FB1] =	sst s9;
	s0 =	simm.s32 @!p0 $0x0  }
0x12: {  	s1 =	sld [smem:$0x3F97];
	s0 =	simm.s32 @p0 $0x1  }
0x13: {  	[smem:$0x3FB2] =	sst s0;
	s0 =	simm.s32 @!p1 $0x0  }
0x14: {  	s2 =	sld [smem:$0x3F96];
	s0 =	simm.s32 @p1 $0x1  }
0x15: {  	[smem:$0x3FB3] =	sst s0;
	s0 =	simm.s32 @!p2 $0x0  }
0x16: {  	s3 =	sld [smem:$0x3FDB];
	s0 =	simm.s32 @p2 $0x1  }
0x17: {  	s4 =	simm.s32 $0x1BF5;
	[smem:$0x3FB5] =	sst s0  }
0x18: {  	s0 =	sld [smem:$0x3F98];
	_ =	swait.ge [sflag:s4], $0x0  }
0x19: {  	s7 =	sld [smem:$0x3F99]  }
0x1a: {  	s8 =	sadd.s32 $0xFFFFE003, lr  }
0x1b: {  	s9 =	sadd.s32 $0xFFFFFEF7, lr;
	s5 =	simm.s32 $0xFFFFFFFF;
	p2 =	slt.u32 s8, $0xFFFFF086  }
0x1c: {  	p1 =	slt.u32 s9, $0xF7A;
	s5 =	simm.s32 @!p2 $0x0  }
0x1d: {  	s5 =	simm.s32 @p1 $0x1;
	p0 =	seq.s32 s7, s2  }
0x1e: {  	s7 =	smul.u32 @!p0 $0xF7A, s2;
	p2 =	seq.s32 @!p0 s5, $0x0  }
0x1f: {  	s9 =	smul.u32 $0xF7A, s1;
	s8 =	simm.s32 @!p0 $0x1BF5;
	p2 =	por !p2, p0  }
0x20: {  	[sflag:s8] =	ssyncset.s32 @!p0 $0xFFFFF086;
	s6 =	sadd.s32 @!p0 s3, s7;
	s7 =	simm.s32 @!p0 $0x108  }
0x21: {  	s3 =	sadd.s32 s3, s9;
	s6 =	sadd.s32 @!p0 $0x88, s6;
	s7 =	simm.s32 @p2 $0x1082  }
0x22: {  	[simem:s7], [sflag:s8] =	dma.local @!p0 [hbm:s6], $0xF7A  }
0x23: {  	s9 =	sor.u32 $0xD0000000, s2;
	s6 =	simm.s32 $0x108;
	_ =	swait.ge @!p0 [sflag:s8], $0x0  }
0x24: {  	s3 =	sadd.s32 $0x88, s3;
	s6 =	simm.s32 @!p1 $0x1082;
	[sflag:s4] =	ssyncset.s32 $0xFFFFF086  }
0x25: {  	[simem:s6], [sflag:s4] =	dma.local [hbm:s3], $0xF7A  }
0x26: {  	[smem:$0x3F99] =	sst s1;
	(tag) =	ssettag s2;
	_ =	strace s9  }
0x27: {  	s1 =	sld [smem:$0x3FA9]  }
0x28: {  	s2 =	sld [smem:$0x3FAA]  }
0x29: {  	s4 =	sld [smem:$0x3FAC]  }
0x2a: {  	p0 =	seq.s32 s5, $0x0;
	s5 =	sld [smem:$0x3FAD]  }
0x2b: {  	s6 =	sld [smem:$0x3FAE]  }
0x2c: {  	s7 =	sld [smem:$0x3FAF]  }
0x2d: {  	s3 =	simm.s32 $0x108;
	s8 =	sld [smem:$0x3FB0]  }
0x2e: {  	s3 =	simm.s32 @!p0 $0x1082;
	s9 =	sld [smem:$0x3FB1]  }
0x2f: {  	lr =	sadd.s32 s0, s3;
	s0 =	sld [smem:$0x3FA8]  }
0x30: {  	s3 =	sld [smem:$0x3FAB]  }
0x31: {  	[smem:$0x3FB4] =	sst s10  }
0x32: {  	s10 =	sld [smem:$0x3FB2];
	_ =	sdelay $0x3  }
0x33: {  	p0 =	seq.s32 s10, $0x1;
	s10 =	sld [smem:$0x3FB4];
	_ =	sdelay $0x3  }
0x34: {  	[smem:$0x3FB4] =	sst s10  }
0x35: {  	s10 =	sld [smem:$0x3FB3];
	_ =	sdelay $0x3  }
0x36: {  	p1 =	seq.s32 s10, $0x1;
	s10 =	sld [smem:$0x3FB4];
	_ =	sdelay $0x3  }
0x37: {  	[smem:$0x3FB4] =	sst s10  }
0x38: {  	s10 =	sld [smem:$0x3FB5]  }
0x39: {  	_ = 	snop;
	(pc) =	sbr.ind lr, $3  }
0x3a: {  	_ = 	snop  }
0x3b: {  	_ = 	snop  }
0x3c: {  	p2 =	seq.s32 s10, $0x1;
	s10 =	sld [smem:$0x3FB4]  }
0x3d: {  	_ =	shalt  }
0x3e: {  	_ =	shalt  }
0x3f: {  	_ =	shalt  }
0x40: {  	_ =	shalt  }
0x41: {  	_ =	shalt  }
0x42: {  	_ =	shalt  }
0x43: {  	_ =	shalt  }
0x44: {  	_ =	shalt  }
0x45: {  	_ =	shalt  }
0x46: {  	_ =	shalt  }
0x47: {  	_ =	shalt  }
0x48: {  	_ =	shalt  }
0x49: {  	_ =	shalt  }
0x4a: {  	_ =	shalt  }
0x4b: {  	_ =	shalt  }
0x4c: {  	_ =	shalt  }
0x4d: {  	_ =	shalt  }
0x4e: {  	_ =	shalt  }
0x4f: {  	_ =	shalt  }
0x50: {  	_ =	shalt  }
0x51: {  	_ =	shalt  }
0x52: {  	_ =	shalt  }
0x53: {  	_ =	shalt  }
0x54: {  	_ =	shalt  }
0x55: {  	_ =	shalt  }
0x56: {  	_ =	shalt  }
0x57: {  	_ =	shalt  }
0x58: {  	_ =	shalt  }
0x59: {  	_ =	shalt  }
0x5a: {  	_ =	shalt  }
0x5b: {  	_ =	shalt  }
0x5c: {  	_ =	shalt  }
0x5d: {  	_ =	shalt  }
0x5e: {  	_ =	shalt  }
0x5f: {  	_ =	shalt  }
0x60: {  	_ =	shalt  }
0x61: {  	_ =	shalt  }
0x62: {  	_ =	shalt  }
0x63: {  	_ =	shalt  }
0x64: {  	_ =	shalt  }
0x65: {  	_ =	shalt  }
0x66: {  	_ =	shalt  }
0x67: {  	_ =	shalt  }
0x68: {  	_ =	shalt  }
0x69: {  	_ =	shalt  }
0x6a: {  	_ =	shalt  }
0x6b: {  	_ =	shalt  }
0x6c: {  	_ =	shalt  }
0x6d: {  	_ =	shalt  }
0x6e: {  	_ =	shalt  }
0x6f: {  	_ =	shalt  }
0x70: {  	_ =	shalt  }
0x71: {  	_ =	shalt  }
0x72: {  	_ =	shalt  }
0x73: {  	_ =	shalt  }
0x74: {  	_ =	shalt  }
0x75: {  	_ =	shalt  }
0x76: {  	_ =	shalt  }
0x77: {  	_ =	shalt  }
0x78: {  	_ =	shalt  }
0x79: {  	_ =	shalt  }
0x7a: {  	_ =	shalt  }
0x7b: {  	_ =	shalt  }
0x7c: {  	_ =	shalt  }
0x7d: {  	_ =	shalt  }
0x7e: {  	_ =	shalt  }
0x7f: {  	_ =	shalt  }
0x80: {  	_ =	shalt  }
0x81: {  	_ =	shalt  }
0x82: {  	_ =	shalt  }
0x83: {  	_ =	shalt  }
0x84: {  	_ =	shalt  }
0x85: {  	_ =	shalt  }
0x86: {  	_ =	shalt  }
0x87: {  	_ =	shalt  }
.Lfunc_end0:
.L_simem_size_0:
called_computation.3_lowered:
.L_overlay_start_0:
0x88: {  	s2 =	sld [smem:$0x3FD9]  }
0x89: {  	s3 =	sld [smem:$0x3FFE];
	_ =	sdelay $0x1  }
0x8a: {  	s1 =	srdreg.scid  }
0x8b: {  	s0 =	sand.u32 $0x1, s1  }
0x8c: {  	s17 =	sshll.u32 s0, $0xA;
	s2 =	sadd.s32 s3, s2  }
0x8d: {  	s2 =	sadd.s32 s2, s17  }
0x8e: {  	[smem:$0x3FC0] =	sst s2  }
0x8f: {  	_ = 	snop  }
0x90: {  	s2 =	sld [smem:$0x3FD0];
	(tm) =	ssettm $0x1  }
0x91: {  	s18 =	sld [smem:$0x3FFB];
	_ =	sdelay $0x3  }
0x92: {  	_ =	strace s18  }
0x93: {  	s3 =	sld [smem:$0x3FFC];
	_ =	sdelay $0x3  }
0x94: {  	_ =	strace s3  }
0x95: {  	s3 =	sld [smem:$0x3FFD];
	_ =	sdelay $0x3  }
0x96: {  	_ =	strace s3  }
0x97: {  	_ =	strace $0x8FFFFFFF  }
0x98: {  	s19 =	sld [smem:$0x3FDB];
	_ =	sdelay $0x1  }
0x99: {  	s4 =	simm.s32 $_scs_section_size  }
0x9a: {  	s5 =	simm.s32 $_size__tile_overlayer_lowered;
	s6 =	simm.s32 $_tile_overlayer_lowered  }
0x9b: {  	s22 =	simm.s32 $0x1BFF;
	s21 =	sshll.u32 s6, $0x1;
	s3 =	sadd.s32 s4, s19  }
0x9c: {  	s7 =	simm.s32 $0x0;
	s20 =	sshll.u32 s5, $0x1;
	s5 =	sadd.s32 s21, s3  }
0x9d: {  	[timem:s7], [sflag:s22] =	dma.local [hbm:s5], s20  }
0x9e: {  	_ =	swait.ge [sflag:s22], s20  }
0x9f: {  	s4 =	ssub.s32 $0x0, s20;
	[sflag:s22] =	ssyncset.done $0x0  }
0xa0: {  	[sflag:s22] =	ssyncadd.s32 s4;
	_ =	sdelay $0x1  }
0xa1: {  	s23 =	simm.s32 $0x1B8B  }
0xa2: {  	_ =	swait.ge [sflag:s23], $0x1  }
0xa3: {  	[sflag:s23] =	ssyncset.done $0x0  }
0xa4: {  	s25 =	simm.s32 $0x1B8E;
	s24 =	sld [smem:$0x3FFE];
	[sflag:s23] =	ssyncadd.s32 $0xFFFFFFFF  }
0xa5: {  	s26 =	simm.s32 $execute0_lowered;
	[smem:$0x3FD2] =	sst s25  }
0xa6: {  	s5 =	sshll.u32 s26, $0x1;
	_ =	strace $0x8000004F;
	[dreg:$0x1] =	wrdreg $0xFFFFFFFF  }
0xa7: {  	s28 =	simm.s32 $_size_execute0_lowered;
	s3 =	sadd.s32 s3, s5;
	[dreg:$0x0] =	wrdreg $0x0  }
0xa8: {  	s5 =	sshll.u32 s28, $0x1;
	[dreg:$0x2] =	wrdreg s3  }
0xa9: {  	[dreg:$0x3] =	wrdreg s5  }
0xaa: {  	[dreg:$0x4] =	wrdreg $0xC0  }
0xab: {  	_ =	task [dreg:s7], $0x5FFFF  }
0xac: {  	[dreg:$0x1] =	wrdreg $0xFFFFFFFF  }
0xad: {  	[dreg:$0x0] =	wrdreg $0x60  }
0xae: {  	[dreg:$0x2] =	wrdreg s2  }
0xaf: {  	[dreg:$0x3] =	wrdreg s24  }
0xb0: {  	[dreg:$0x4] =	wrdreg $0x8F000  }
0xb1: {  	[dreg:$0x5] =	wrdreg $0x12F000  }
0xb2: {  	[dreg:$0x6] =	wrdreg $0x9  }
0xb3: {  	_ =	task.clear_ibuf [dreg:s7], $0x7FFFF;
	_ =	strace $0x9000004F  }
0xb4: {  	s29 =	simm.s32 $0x9;
	_ =	strace $0x80000051  }
0xb5: {  	_ =	swait.ge [sflag:s29], $0x1  }
0xb6: {  	[sflag:s29] =	ssyncadd.s32 $0xFFFFFFFF  }
0xb7: {  	_ =	strace $0x90000051  }
0xb8: {  	_ =	sfence  }
0xb9: {  	s30 =	sld [smem:$0x0];
	_ =	sdelay $0x2  }
0xba: {  	s31 =	sshll.u32 s1, $0xD;
	s1 =	sshrl.u32 s1, $0x2  }
0xbb: {  	s3 =	sand.u32 $0x4000, s31;
	s1 =	sadd.s32 s1, s30  }
0xbc: {  	s0 =	sor.u32 s3, s0;
	s1 =	sshll.u32 s1, $0x11  }
0xbd: {  	s0 =	sor.u32 s1, s0  }
0xbe: {  	s0 =	sadd.s32 $0x8F2B, s0  }
0xbf: {  	[sflag:s0] =	ssyncadd.remote.s32 $0x1  }
0xc0: {  	_ =	sfence.sel $0xFFFF  }
0xc1: {  	[dreg:$0x0] =	wrdreg $0xFFFFFFFF;
	(pc) =	sbr.abs _section_cstart, $3  }
0xc2: {  	[dreg:$0x1] =	wrdreg $0xFFFFFFFF  }
0xc3: {  	_ =	task.clear_ibuf [dreg:s7], $0x2FFFF;
	_ =	strace $0x9FFFFFFF  }
0xc4: {  	(tm) =	ssettm $0x7FFFFFFF  }
0xc5: {  	_ =	shalt  }
tec
execute0_lowered:
.L_overlay_start_1:
0x0: {  	(tag) =	ssettag $0x1  }
0x1: {  	s10 =	rddreg [dreg:$0x0]  }
0x2: {  	s6 =	rddreg [dreg:$0x1]  }
0x3: {  	s2 =	rddreg [dreg:$0x2]  }
0x4: {  	s3 =	rddreg [dreg:$0x3]  }
0x5: {  	s0 =	srdreg.scid;
	s1 =	rddreg [dreg:$0x4];
	s4 =	simm.s32 $0x0  }
0x6: {  	s17 =	simm.s32 $0x1;
	s18 =	simm.s32 $0x2;
	s19 =	simm.s32 $0x3  }
0x7: {  	s20 =	simm.s32 $0x4;
	s21 =	simm.s32 $0x80;
	s5 =	sand.u32 $0x1, s0  }
0x8: {  	s22 =	simm.s32 $0x4F00;
	s0 =	stileid.u32;
	s7 =	smul.u32 $0x27800, s5  }
0x9: {  	s23 =	simm.s32 $0x6F00;
	s24 =	simm.s32 $0x5;
	s8 =	smul.u32 $0x2780, s0  }
0xa: {  	s25 =	simm.s32 $0x4E80;
	s26 =	simm.s32 $0x0;
	s11 =	smul.u32 $0x9C40, s0  }
0xb: {  	[smem:$0x7FF] =	sst s4;
	s9 =	smul.u32 $0x9C400, s5;
	s31 =	ssub.s32 $0x2, s5  }
0xc: {  	_ =	strace $0x80000050;
	s5 =	sadd.s32 $0x64E00, s6;
	s12 =	sshrl.u32 s31, $0x1  }
0xd: {  	s7 =	sadd.s32 s8, s7;
	s30 =	sadd.s32 s11, s9;
	s12 =	ssub.s32 s31, s12  }
0xe: {  	s14 =	sadd.s32 s11, s2;
	s15 =	sshrl.u32 s11, $0x3;
	s16 =	sadd.s32 s11, s3  }
0xf: {  	s7 =	sshrl.u32 s7, $0x3;
	s8 =	sshrl.u32 s30, $0x3;
	s10 =	sadd.s32 s10, s15  }
0x10: {  	s12 =	smax.u32 s12, $0x1;
	s14 =	sshrl.u32 s14, $0x3;
	s16 =	sshrl.u32 s16, $0x3  }
0x11: {  	s7 =	sadd.s32 s7, s6;
	s13 =	sadd.s32 s8, s6;
	s8 =	sshll.u32 s0, $0x6  }
0x12: {  	s6 =	sadd.s32 $0xCC00, s7;
	s7 =	sadd.s32 $0x2A00, s7;
	s9 =	sor.u32 $0x1C03, s8  }
0x13: {  	s11 =	sadd.s32 $0x3DC00, s13;
	s13 =	simm.s32 $0x2780;
	s15 =	sor.u32 $0x1C04, s8  }
.LBB2_1:
0x14: {  	[tilespmem:s4], [sflag:$0x1] =	stream.linear.gather [hbm4b:s6+s4], $0x2780, $0x38;
	[tilespmem:$0x1CB40] =	vst v63  }
0x15: {  	_ = 	snop  }
0x16: {  	[tilespmem:s13], [sflag:$0x2] =	stream.linear.gather [hbm4b:s7+s4], $0x2780, $0x38;
	[tilespmem:$0x1CB40] =	vst v63  }
0x17: {  	[spmem:s14], [sflag:s9] =	dma.local [hbm:s5], $0x1388  }
0x18: {  	[spmem:s16], [sflag:s15] =	dma.local [hbm:s10], $0x1388  }
0x19: {  	_ =	swait.ge [sflag:s17], $0x2780  }
0x1a: {  	[sflag:s17] =	ssyncset.done $0x0  }
0x1b: {  	[sflag:s17] =	ssyncadd.s32 $0xFFFFD880  }
0x1c: {  	_ =	swait.ge [sflag:s18], $0x2780  }
0x1d: {  	[sflag:s18] =	ssyncset.done $0x0  }
0x1e: {  	[sflag:s18] =	ssyncadd.s32 $0xFFFFD880  }
0x1f: {  	_ =	swait.ge [sflag:s19], $0x1388  }
0x20: {  	[sflag:s19] =	ssyncset.done $0x0  }
0x21: {  	[sflag:s19] =	ssyncadd.s32 $0xFFFFEC78  }
0x22: {  	_ =	swait.ge [sflag:s20], $0x1388  }
0x23: {  	[sflag:s20] =	ssyncset.done $0x0  }
0x24: {  	[sflag:s20] =	ssyncadd.s32 $0xFFFFEC78  }
0x25: {  	[bflag:$0x0] =	sbarrier.arrive $0xFFFF  }
0x26: {  	[tilespmem:s22], [sflag:$0x1] =	stream.indirect.gather [spmem:s3], $0x40, s4, s21, $0xb8;
	[tilespmem:$0x1CB40] =	vst v63  }
0x27: {  	_ =	swait.ge [sflag:s17], $0x2000  }
0x28: {  	[sflag:s17] =	ssyncset.done $0x0  }
0x29: {  	s28 =	simm.s32 $0x80;
	[sflag:s17] =	ssyncadd.s32 $0xFFFFE000  }
0x2a: {  	[tilespmem:s23], [sflag:$0x2] =	stream.indirect.gather [spmem:s3], $0x40, s28, s21, $0xb8;
	[tilespmem:$0x1CB40] =	vst v63  }
0x2b: {  	s28 =	simm.s32 $0x2780  }
0x2c: {  	[spmem:s2] =	stream.indirect.scatter.add.f32 [tilespmem:s22], [sflag:$0x5], $0x40, s28, s21, $0xb8;
	[tilespmem:$0x1CB40] =	vst v63  }
0x2d: {  	_ =	swait.ge [sflag:s24], $0x2000  }
0x2e: {  	[sflag:s24] =	ssyncset.done $0x0  }
0x2f: {  	[sflag:s24] =	ssyncadd.s32 $0xFFFFE000  }
0x30: {  	_ =	swait.ge [sflag:s18], $0x2000  }
0x31: {  	[sflag:s18] =	ssyncset.done $0x0  }
0x32: {  	s28 =	simm.s32 $0x100;
	[sflag:s18] =	ssyncadd.s32 $0xFFFFE000  }
0x33: {  	[tilespmem:s22], [sflag:$0x1] =	stream.indirect.gather [spmem:s3], $0x40, s28, s21, $0xb8;
	[tilespmem:$0x1CB40] =	vst v63  }
0x34: {  	s28 =	simm.s32 $0x2800  }
0x35: {  	[spmem:s2] =	stream.indirect.scatter.add.f32 [tilespmem:s23], [sflag:$0x5], $0x40, s28, s21, $0xb8;
	[tilespmem:$0x1CB40] =	vst v63  }
0x36: {  	_ =	swait.ge [sflag:s24], $0x2000  }
0x37: {  	s28 =	simm.s32 $0x400;
	[sflag:s24] =	ssyncset.done $0x0  }
.LBB2_2:
0x38: {  	p0 =	sne.s32 s28, $0x9800  }
0x39: {  	[sflag:s24] =	ssyncadd.s32 $0xFFFFE000;
	s29 =	smov.u32 s28;
	s28 =	sadd.s32 $0x400, s28  }
0x3a: {  	_ = 	snop  }
0x3b: {  	_ =	swait.ge [sflag:s17], $0x2000  }
0x3c: {  	s29 =	sshra.s32 s29, $0x2;
	[sflag:s17] =	ssyncset.done $0x0  }
0x3d: {  	s30 =	sadd.s32 $0x80, s29;
	[sflag:s17] =	ssyncadd.s32 $0xFFFFE000  }
0x3e: {  	[tilespmem:s23], [sflag:$0x2] =	stream.indirect.gather [spmem:s3], $0x40, s30, s21, $0xb8;
	[tilespmem:$0x1CB40] =	vst v63  }
0x3f: {  	s30 =	sadd.s32 $0x2780, s29  }
0x40: {  	[spmem:s2] =	stream.indirect.scatter.add.f32 [tilespmem:s22], [sflag:$0x5], $0x40, s30, s21, $0xb8;
	[tilespmem:$0x1CB40] =	vst v63  }
0x41: {  	_ =	swait.ge [sflag:s24], $0x2000  }
0x42: {  	[sflag:s24] =	ssyncset.done $0x0  }
0x43: {  	[sflag:s24] =	ssyncadd.s32 $0xFFFFE000  }
0x44: {  	_ =	swait.ge [sflag:s18], $0x2000  }
0x45: {  	[sflag:s18] =	ssyncset.done $0x0  }
0x46: {  	s30 =	sadd.s32 $0x100, s29;
	[sflag:s18] =	ssyncadd.s32 $0xFFFFE000  }
0x47: {  	[tilespmem:s22], [sflag:$0x1] =	stream.indirect.gather [spmem:s3], $0x40, s30, s21, $0xb8;
	[tilespmem:$0x1CB40] =	vst v63  }
.Ltmp0:
0x48: {  	_ = 	snop;
	(pc) =	sbr.rel @p0 .LBB2_2-.Ltmp0, $4  }
0x49: {  	s29 =	sadd.s32 $0x2800, s29  }
0x4a: {  	[spmem:s2] =	stream.indirect.scatter.add.f32 [tilespmem:s23], [sflag:$0x5], $0x40, s29, s21, $0xb8;
	[tilespmem:$0x1CB40] =	vst v63  }
0x4b: {  	_ =	swait.ge [sflag:s24], $0x2000  }
0x4c: {  	[sflag:s24] =	ssyncset.done $0x0  }
0x4d: {  	[sflag:s24] =	ssyncadd.s32 $0xFFFFE000  }
0x4e: {  	_ =	swait.ge [sflag:s17], $0x2000  }
0x4f: {  	[sflag:s17] =	ssyncset.done $0x0  }
0x50: {  	[sflag:s17] =	ssyncadd.s32 $0xFFFFE000  }
0x51: {  	[spmem:s2] =	stream.indirect.scatter.add.f32 [tilespmem:s22], [sflag:$0x5], $0x40, s25, s21, $0xb8;
	[tilespmem:$0x1CB40] =	vst v63  }
0x52: {  	_ =	swait.ge [sflag:s24], $0x2000  }
0x53: {  	s26 =	sadd.s32 $0x1, s26;
	[sflag:s24] =	ssyncset.done $0x0  }
0x54: {  	p0 =	sne.s32 s26, s12;
	[sflag:s24] =	ssyncadd.s32 $0xFFFFE000  }
.Ltmp1:
0x55: {  	s28 =	sor.u32 $0x1C05, s8;
	[bflag:$0x0] =	sbarrier.arrive $0xFFFF;
	(pc) =	sbr.rel @p0 .LBB2_1-.Ltmp1, $4  }
0x56: {  	[hbm:s11], [sflag:s28] =	dma.local [spmem:s14], $0x1388  }
0x57: {  	_ =	swait.ge [sflag:s24], $0x1388  }
0x58: {  	[sflag:s24] =	ssyncset.done $0x0  }
0x59: {  	[sflag:s24] =	ssyncadd.s32 $0xFFFFEC78  }
0x5a: {  	_ =	sfence.sel $0x180000  }
0x5b: {  	[bflag:$0x0] =	sbarrier.arrive $0xFFFF  }
0x5c: {  	p0 =	sne.s32 s0, $0x0;
	_ =	strace $0x90000050  }
0x5d: {  	s0 =	sadd.s32 @!p0 $0x100000, s1;
	[bflag:$0x2] =	sbarrier.arrive $0xFFFF  }
0x5e: {  	[sflag:s0] =	ssyncadd.tile.s32 @!p0 $0x1;
	_ =	shalt  }
.Lfunc_end2:
_tile_overlayer_lowered:
.L_overlay_start_2:
0x5f: {  	(tag) =	ssettag $0x2  }
0x60: {  	s0 =	rddreg [dreg:$0x0];
	s2 =	stileid.u32  }
0x61: {  	s1 =	rddreg [dreg:$0x1];
	p0 =	sne.s32 s2, $0x0  }
0x62: {  	s3 =	rddreg [dreg:$0x2];
	[bflag:$0x3] =	sbarrier.arrive $0xFFFF;
	s2 =	simm.s32 @!p0 $0x1C05  }
0x63: {  	[timem:s3], [sflag:s2] =	dma.local @!p0 [hbm:s0], s1  }
0x64: {  	s0 =	simm.s32 @!p0 $0x5  }
0x65: {  	_ =	swait.ge @!p0 [sflag:s0], s1  }
0x66: {  	s1 =	ssub.s32 @!p0 $0x0, s1;
	[sflag:s0] =	ssyncset.done @!p0 $0x0  }
0x67: {  	[sflag:s0] =	ssyncadd.s32 @!p0 s1  }
0x68: {  	[bflag:$0x3] =	sbarrier.arrive $0xFFFF  }
0x69: {  	_ =	shalt  }

</sc_bundles>
